<compile_context>
chip_gen: v7x
topology: tpu7x:2x2x1
jax: 0.10.2.dev20260603
libtpu: 0.0.44.dev20260713+nightly
codegen_flags: <defaults>
</compile_context>

<pallas_src>
import functools

import jax
import jax.numpy as jnp
from jax import lax
from jax.experimental import pallas as pl
from jax.experimental.pallas import tpu as pltpu
from jax.experimental.pallas import tpu_sc as plsc

_CAPF = 2.0
_NC = 2
_NS = 16
_LW = 16
_BLK = 256


def _argmax4(c0, c1, c2, c3):
    m = jnp.maximum(jnp.maximum(c0, c1), jnp.maximum(c2, c3))
    s = (jnp.exp(c0 - m) + jnp.exp(c1 - m)
         + jnp.exp(c2 - m) + jnp.exp(c3 - m))
    e = jnp.where(c0 >= m, 0,
                  jnp.where(c1 >= m, 1, jnp.where(c2 >= m, 2, 3)))
    return e, 1.0 / s


def _router_body(T, E1, E2, C1, C2, R, NBMAX, NCH, x_ref, wg_ref, slot_ref,
                 g_ref, srow_ref, rrow_ref, b2p_ref, cnts_ref, meta_ref):
    i = pl.program_id(0)
    NP = E1 * E2
    NROWS = (NBMAX + 1) * _BLK
    iiE1 = jax.lax.broadcasted_iota(jnp.int32, (R, E1), 1)
    iiNP = jax.lax.broadcasted_iota(jnp.int32, (R, NP), 1)

    @pl.when(i == 0)
    def _():
        cnts_ref[...] = jnp.zeros_like(cnts_ref)

    @pl.when(i < NCH)
    def _phase_chunk():
        lg = jnp.dot(x_ref[...], wg_ref[...],
                     preferred_element_type=jnp.float32)
        col = [lg[:, j:j + 1] for j in range(E1 + E1 * E2)]
        e1, gate1 = _argmax4(col[0], col[1], col[2], col[3])
        e2 = jnp.zeros((R, 1), jnp.int32)
        gate2 = jnp.zeros((R, 1), jnp.float32)
        for b in range(E1):
            e2b, g2b = _argmax4(*col[E1 + E2 * b:E1 + E2 * (b + 1)])
            sel = e1 == b
            e2 = jnp.where(sel, e2b, e2)
            gate2 = jnp.where(sel, g2b, gate2)
        rr = jax.lax.broadcasted_iota(jnp.int32, (R, R), 0)
        cc = jax.lax.broadcasted_iota(jnp.int32, (R, R), 1)
        Ltri = (rr >= cc).astype(jnp.float32)
        cnt1 = cnts_ref[0:1, 0:E1]
        cnt2 = cnts_ref[1:2, 0:NP]
        oh1 = (iiE1 == e1).astype(jnp.float32)
        inc1 = jnp.dot(Ltri, oh1, preferred_element_type=jnp.float32) + cnt1
        pos1 = jnp.sum(inc1 * oh1, axis=1, keepdims=True) - 1.0
        keep1 = pos1 < C1
        pairc = e1 * E2 + e2
        ohpk = ((iiNP == pairc) & keep1).astype(jnp.float32)
        inc2 = jnp.dot(Ltri, ohpk, preferred_element_type=jnp.float32) + cnt2
        pos2 = jnp.sum(inc2 * ohpk, axis=1, keepdims=True) - 1.0
        keep = (pos2 < C2) & keep1 & (pos2 >= 0.0)
        cnts_ref[0:1, 0:E1] = cnt1 + jnp.sum(oh1, axis=0, keepdims=True)
        cnts_ref[1:2, 0:NP] = cnt2 + jnp.sum(ohpk, axis=0, keepdims=True)
        g = jnp.where(keep, gate1 * gate2, 0.0)
        rows = pl.ds(i * R, R)
        meta_ref[rows, 0:1] = pairc.astype(jnp.float32)
        meta_ref[rows, 1:2] = pos2
        meta_ref[rows, 2:3] = keep.astype(jnp.float32)
        g_ref[...] = jnp.broadcast_to(g, (R, 128))

    @pl.when(i == NCH)
    def _finalize():
        cnt2 = cnts_ref[1:2, 0:NP]
        cntk = jnp.minimum(cnt2, float(C2))
        nblk = jnp.floor((cntk + (_BLK - 1)) / _BLK)
        nrows = nblk * _BLK
        qq = jax.lax.broadcasted_iota(jnp.int32, (NP, NP), 0)
        pp = jax.lax.broadcasted_iota(jnp.int32, (NP, NP), 1)
        Ustrict = (qq < pp).astype(jnp.float32)
        srow = jnp.dot(nrows, Ustrict, preferred_element_type=jnp.float32,
                       precision=jax.lax.Precision.HIGHEST)
        sblk = srow / float(_BLK)
        totblk = jnp.sum(nblk, axis=1, keepdims=True)
        jb = jax.lax.broadcasted_iota(
            jnp.int32, (64, 1), 0).astype(jnp.float32)
        ge = (jb >= sblk).astype(jnp.float32)
        pidx = jnp.sum(ge, axis=1, keepdims=True) - 1.0
        b2p = jnp.where(jb < totblk, pidx, float(NP))
        srow_ref[...] = srow.astype(jnp.int32)
        rrow_ref[...] = nrows.astype(jnp.int32)
        b2p_ref[...] = b2p.astype(jnp.int32)
        srow_i = srow.astype(jnp.int32)
        for c in range(NCH):
            rows = slice(c * R, (c + 1) * R)
            pairc = meta_ref[rows, 0:1].astype(jnp.int32)
            pos2 = meta_ref[rows, 1:2]
            keep = meta_ref[rows, 2:3] > 0.0
            ohp = iiNP == pairc
            stok = jnp.sum(jnp.where(ohp, srow_i, 0), axis=1, keepdims=True)
            slot = jnp.where(keep, stok + pos2.astype(jnp.int32), NROWS - 1)
            slot_ref[rows, :] = slot


def _run_router(xt, wg, T, E1, E2, C1, C2, NBMAX):
    NP = E1 * E2
    R = min(256, T)
    NCH = T // R
    body = functools.partial(_router_body, T, E1, E2, C1, C2, R, NBMAX, NCH)
    return pl.pallas_call(
        body,
        grid=(NCH + 1,),
        in_specs=[
            pl.BlockSpec((R, xt.shape[1]),
                         lambda i: (jnp.minimum(i, NCH - 1), 0)),
            pl.BlockSpec((wg.shape[0], wg.shape[1]), lambda i: (0, 0)),
        ],
        out_specs=(
            pl.BlockSpec((T, 1), lambda i: (0, 0)),
            pl.BlockSpec((R, 128), lambda i: (jnp.minimum(i, NCH - 1), 0)),
            pl.BlockSpec((1, NP), lambda i: (0, 0)),
            pl.BlockSpec((1, NP), lambda i: (0, 0)),
            pl.BlockSpec((64, 1), lambda i: (0, 0)),
        ),
        out_shape=(
            jax.ShapeDtypeStruct((T, 1), jnp.int32),
            jax.ShapeDtypeStruct((T, 128), jnp.float32),
            jax.ShapeDtypeStruct((1, NP), jnp.int32),
            jax.ShapeDtypeStruct((1, NP), jnp.int32),
            jax.ShapeDtypeStruct((64, 1), jnp.int32),
        ),
        scratch_shapes=[pltpu.VMEM((2, NP), jnp.float32),
                        pltpu.VMEM((T, 4), jnp.float32)],
    )(xt, wg)


def _dispatch_body(T, H, slot_hbm, x_hbm, xc_hbm, idx_v, rows_v, sem):
    wid = lax.axis_index("s") * _NC + lax.axis_index("c")
    per = T // (_NC * _NS)
    base = pl.multiple_of(wid * per, 8)
    pltpu.sync_copy(slot_hbm.at[pl.ds(base, per)], idx_v)
    pltpu.sync_copy(x_hbm.at[pl.ds(base, per)], rows_v)
    pltpu.async_copy(rows_v, xc_hbm.at[idx_v], sem).wait()


def _run_dispatch(slot_flat, xt, T, H, NROWS):
    per = T // (_NC * _NS)
    mesh = plsc.VectorSubcoreMesh(core_axis_name="c", subcore_axis_name="s")
    body = functools.partial(_dispatch_body, T, H)
    return pl.kernel(
        body,
        out_type=jax.ShapeDtypeStruct((NROWS, H), jnp.float32),
        mesh=mesh,
        compiler_params=pltpu.CompilerParams(needs_layout_passes=False),
        scratch_types=[
            pltpu.VMEM((per,), jnp.int32),
            pltpu.VMEM((per, H), jnp.float32),
            pltpu.SemaphoreType.DMA,
        ],
    )(slot_flat, xt)


def _cffn_body(NP, b2p_sm, xc_ref, w1_ref, b1_ref, w2_ref, b2_ref, yc_ref):
    i = pl.program_id(0)
    p_raw = b2p_sm[i]

    @pl.when(p_raw < NP)
    def _():
        h = jax.nn.gelu(
            jnp.dot(xc_ref[...], w1_ref[0],
                    preferred_element_type=jnp.float32) + b1_ref[0])
        yc_ref[...] = (jnp.dot(h, w2_ref[0],
                               preferred_element_type=jnp.float32)
                       + b2_ref[0])


def _run_cffn(b2p, xc, W1r, b1r, W2r, b2r, H, F, NP, NBMAX, NROWS):
    body = functools.partial(_cffn_body, NP)

    def wmap(i, b2p_ref):
        return (jnp.minimum(b2p_ref[i], NP - 1), 0, 0)

    grid_spec = pltpu.PrefetchScalarGridSpec(
        num_scalar_prefetch=1,
        grid=(NBMAX,),
        in_specs=[
            pl.BlockSpec((_BLK, H), lambda i, b: (i, 0)),
            pl.BlockSpec((1, H, F), wmap),
            pl.BlockSpec((1, 1, F), wmap),
            pl.BlockSpec((1, F, H), wmap),
            pl.BlockSpec((1, 1, H), wmap),
        ],
        out_specs=pl.BlockSpec((_BLK, H), lambda i, b: (i, 0)),
    )
    return pl.pallas_call(
        body,
        grid_spec=grid_spec,
        out_shape=jax.ShapeDtypeStruct((NROWS, H), jnp.float32),
    )(b2p, xc, W1r, b1r, W2r, b2r)


def _combine_body(T, H, NROWS, slot_hbm, yc_hbm, y_hbm, idx_v, rows_v, sem):
    wid = lax.axis_index("s") * _NC + lax.axis_index("c")
    per = T // (_NC * _NS)
    base = pl.multiple_of(wid * per, 8)
    pltpu.sync_copy(slot_hbm.at[pl.ds(base, per)], idx_v)
    pltpu.async_copy(yc_hbm.at[idx_v], rows_v, sem).wait()
    pltpu.sync_copy(rows_v, y_hbm.at[pl.ds(base, per)])


def _run_combine(slot_flat, yc, T, H, NROWS):
    per = T // (_NC * _NS)
    mesh = plsc.VectorSubcoreMesh(core_axis_name="c", subcore_axis_name="s")
    body = functools.partial(_combine_body, T, H, NROWS)
    return pl.kernel(
        body,
        out_type=jax.ShapeDtypeStruct((T, H), jnp.float32),
        mesh=mesh,
        compiler_params=pltpu.CompilerParams(needs_layout_passes=False),
        scratch_types=[
            pltpu.VMEM((per,), jnp.int32),
            pltpu.VMEM((per, H), jnp.float32),
            pltpu.SemaphoreType.DMA,
        ],
    )(slot_flat, yc)


def _dense_body(y_ref, g_ref, wd_ref, bd_ref, o_ref):
    gcol = g_ref[:, 0:1]
    ym = jnp.where(gcol > 0.0, y_ref[...], 0.0) * gcol
    o_ref[...] = (jnp.dot(ym, wd_ref[...],
                          preferred_element_type=jnp.float32) + bd_ref[...])


def _run_dense(y, g_b, Wd, bd2, T, H):
    R = min(256, T)
    return pl.pallas_call(
        _dense_body,
        grid=(T // R,),
        in_specs=[
            pl.BlockSpec((R, H), lambda i: (i, 0)),
            pl.BlockSpec((R, 128), lambda i: (i, 0)),
            pl.BlockSpec((H, H), lambda i: (0, 0)),
            pl.BlockSpec((1, H), lambda i: (0, 0)),
        ],
        out_specs=pl.BlockSpec((R, H), lambda i: (i, 0)),
        out_shape=jax.ShapeDtypeStruct((T, H), jnp.float32),
    )(y, g_b, Wd, bd2)


def kernel(x, Wg1, Wg2, W1, b1, W2, b2, Wd, bd):
    B, S, H = x.shape
    T = B * S
    E1 = Wg1.shape[1]
    E2 = Wg2.shape[2]
    F = W1.shape[3]
    NP = E1 * E2
    C1 = int(_CAPF * T / E1)
    C2 = int(_CAPF * C1 / E2)
    NBMAX = min(NP * C2, T + (NP - 1) * _BLK) // _BLK
    NROWS = (NBMAX + 1) * _BLK

    xt = x.reshape(T, H)
    wg2m = jnp.transpose(Wg2, (1, 0, 2)).reshape(H, NP)
    pad = (-(E1 + NP)) % 128 if (E1 + NP) > 32 else 32 - (E1 + NP)
    wg = jnp.concatenate(
        [Wg1, wg2m, jnp.zeros((H, pad), jnp.float32)], axis=1)

    slot, g_b, srow, rrow, b2p = _run_router(xt, wg, T, E1, E2, C1, C2, NBMAX)
    slot_flat = slot.reshape(T)

    xc = _run_dispatch(slot_flat, xt, T, H, NROWS)

    yc = _run_cffn(b2p.reshape(64), xc, W1.reshape(NP, H, F),
                   b1.reshape(NP, 1, F), W2.reshape(NP, F, H),
                   b2.reshape(NP, 1, H), H, F, NP, NBMAX, NROWS)

    y = _run_combine(slot_flat, yc, T, H, NROWS)

    out = _run_dense(y, g_b, Wd, bd.reshape(1, H), T, H)
    return out.reshape(B, S, H)

# --- scband reference (transcript-rebuilt; emitter-appended) ---
"""Pipeline reference for scband-tree-mo-emodel-2199023256082 (READ-ONLY COPY).

The authoritative reference and input builder live on the scoring server;
editing this copy changes nothing except your own understanding.
"""

import jax, jax.numpy as jnp
import numpy as np

B, S, H, F, E1, E2 = 1, 2048, 1024, 1024, 4, 4
CAP = 2.0


def setup_inputs(seed: int = 0) -> dict:
    key = jax.random.key(seed)
    ks = jax.random.split(key, 8)
    x = jax.random.normal(ks[0], (B, S, H), jnp.float32)
    Wg1 = jax.random.normal(ks[1], (H, E1), jnp.float32) * 0.02
    Wg2 = jax.random.normal(ks[2], (E1, H, E2), jnp.float32) * 0.02
    W1 = jax.random.normal(ks[3], (E1, E2, H, F), jnp.float32) * 0.02
    b1 = jnp.zeros((E1, E2, F), jnp.float32)
    W2 = jax.random.normal(ks[4], (E1, E2, F, H), jnp.float32) * 0.02
    b2 = jnp.zeros((E1, E2, H), jnp.float32)
    Wd = jax.random.normal(ks[5], (H, H), jnp.float32) * 0.02
    bd = jnp.zeros((H,), jnp.float32)
    return {"x": x, "Wg1": Wg1, "Wg2": Wg2, "W1": W1, "b1": b1, "W2": W2, "b2": b2, "Wd": Wd, "bd": bd}


def reference(x, Wg1, Wg2, W1, b1, W2, b2, Wd, bd):
    # Tree-MoE: level-1 (inter-node) top-1 routing with capacity drop,
    # level-2 (intra-node) top-1 routing with capacity drop, expert FFN,
    # gated combine back up the tree, then final dense projection.
    Bx, Sx, Hx = x.shape
    T = Bx * Sx
    xt = x.reshape(T, Hx)
    C1 = int(CAP * T / E1)
    C2 = int(CAP * C1 / E2)
    # ----- level 1 routing (inter-node) -----
    logits1 = xt @ Wg1
    probs1 = jax.nn.softmax(logits1, axis=-1)
    e1 = jnp.argmax(probs1, axis=-1)                                  # [T]
    gate1 = jnp.take_along_axis(probs1, e1[:, None], axis=1)[:, 0]    # [T]
    oh1 = jax.nn.one_hot(e1, E1, dtype=jnp.int32)                     # [T,E1]
    pos1 = jnp.sum(jnp.cumsum(oh1, axis=0) * oh1, axis=1) - 1         # [T]
    keep1 = pos1 < C1
    slot1 = jnp.where(keep1, e1 * C1 + pos1, E1 * C1)                 # OOB -> dropped
    buf1 = jnp.zeros((E1 * C1, Hx), xt.dtype).at[slot1].set(xt, mode='drop')
    occ1 = jnp.zeros((E1 * C1,), jnp.int32).at[slot1].set(1, mode='drop')
    xb = buf1.reshape(E1, C1, Hx)
    # ----- level 2 routing (intra-node, per inter-branch) -----
    logits2 = jnp.einsum('ech,ehk->eck', xb, Wg2)                     # [E1,C1,E2]
    probs2 = jax.nn.softmax(logits2, axis=-1)
    e2 = jnp.argmax(probs2, axis=-1)                                  # [E1,C1]
    gate2 = jnp.take_along_axis(probs2, e2[..., None], axis=-1)[..., 0]
    oh2 = jax.nn.one_hot(e2, E2, dtype=jnp.int32)                     # [E1,C1,E2]
    pos2 = jnp.sum(jnp.cumsum(oh2, axis=1) * oh2, axis=2) - 1         # [E1,C1]
    keep2 = (pos2 < C2) & (occ1.reshape(E1, C1) > 0)
    bidx = jnp.arange(E1)[:, None]
    gslot2 = jnp.where(keep2, bidx * (E2 * C2) + e2 * C2 + pos2, E1 * E2 * C2)
    buf2 = jnp.zeros((E1 * E2 * C2, Hx), xt.dtype).at[gslot2.reshape(-1)].set(xb.reshape(-1, Hx), mode='drop')
    xe = buf2.reshape(E1, E2, C2, Hx)
    # ----- expert FFN (gelu MLP) -----
    h = jax.nn.gelu(jnp.einsum('abch,abhf->abcf', xe, W1) + b1[:, :, None, :])
    ye = jnp.einsum('abcf,abfh->abch', h, W2) + b2[:, :, None, :]
    # ----- combine level 2 -----
    ye_pad = jnp.concatenate([ye.reshape(E1 * E2 * C2, Hx), jnp.zeros((1, Hx), xt.dtype)], axis=0)
    y1 = ye_pad[gslot2.reshape(-1)].reshape(E1, C1, Hx) * gate2[..., None]
    # ----- combine level 1 -----
    y1_pad = jnp.concatenate([y1.reshape(E1 * C1, Hx), jnp.zeros((1, Hx), xt.dtype)], axis=0)
    yt = y1_pad[slot1] * gate1[:, None]
    # ----- final dense -----
    out = yt @ Wd + bd
    return out.reshape(Bx, Sx, Hx)

if __name__ == "__main__":
    import jax
    _d = setup_inputs()
    print(jax.jit(kernel)(*tuple(_d.values())))

</pallas_src>

<mosaic_0001>
#map = affine_map<(d0, d1) -> (0)>
#map1 = affine_map<(d0, d1) -> (0, 0)>
module attributes {stable_mosaic.version = 14 : i64} {
  func.func @_dispatch_body(%arg0: i32, %arg1: i32, %arg2: memref<2048xi32, #tpu.memory_space<hbm>>, %arg3: memref<2048x1024xf32, #tpu.memory_space<hbm>>, %arg4: memref<6144x1024xf32, #tpu.memory_space<hbm>>, %arg5: memref<64xi32, #tpu.memory_space<vmem>>, %arg6: memref<64x1024xf32, #tpu.memory_space<vmem>>, %arg7: memref<!tpu.dma_semaphore, #tpu.memory_space<semaphore_mem>>) attributes {dimension_semantics = [#tpu.dimension_semantics<core_parallel>, #tpu.dimension_semantics<subcore_parallel>], iteration_bounds = array<i64: 2, 16>, scalar_prefetch = 0 : i64, scratch_operands = 3 : i64, tpu.core_type = #tpu.core_type<sc_vector_subcore>, window_params = [{transform_indices = #map}, {transform_indices = #map1}, {transform_indices = #map1}]} {
    %mul3A = arith.constant 2 : i32
    %mul3A_0 = arith.muli %arg1, %mul3A : i32
    %add3A = arith.addi %mul3A_0, %arg0 : i32
    %mul3A_1 = arith.constant 64 : i32
    %mul3A_2 = arith.muli %add3A, %mul3A_1 : i32
    %multiple_of3A = tpu.assume_multiple %mul3A_2, 8 : i32
    "tpu.region"() ({
      %run_scoped3A = tpu.sem_alloc : memref<!tpu.dma_semaphore, #tpu.memory_space<semaphore_mem>>
      %dma_start3A_7 = tpu.memref_slice %arg2[%multiple_of3A] : memref<2048xi32, #tpu.memory_space<hbm>> -> memref<64xi32, #tpu.memory_space<hbm>>
      %dma_start3A_8 = tpu.memref_slice %arg2[%multiple_of3A] : memref<2048xi32, #tpu.memory_space<hbm>> -> memref<64xi32, #tpu.memory_space<hbm>>
      tpu.enqueue_dma source(%dma_start3A_8 : memref<64xi32, #tpu.memory_space<hbm>>) target(%arg5 : memref<64xi32, #tpu.memory_space<vmem>>) target_semaphore(%run_scoped3A : memref<!tpu.dma_semaphore, #tpu.memory_space<semaphore_mem>>)
      %dma_wait3A_9 = tpu.memref_slice %arg2[%multiple_of3A] : memref<2048xi32, #tpu.memory_space<hbm>> -> memref<64xi32, #tpu.memory_space<hbm>>
      %dma_wait3A_10 = tpu.memref_slice %arg2[%multiple_of3A] : memref<2048xi32, #tpu.memory_space<hbm>> -> memref<64xi32, #tpu.memory_space<hbm>>
      tpu.wait_dma2 semaphore(%run_scoped3A : memref<!tpu.dma_semaphore, #tpu.memory_space<semaphore_mem>>) src(%dma_wait3A_10 : memref<64xi32, #tpu.memory_space<hbm>>) dst(%arg5 : memref<64xi32, #tpu.memory_space<vmem>>)
      tpu.yield
    }) : () -> ()
    "tpu.region"() ({
      %run_scoped3A = tpu.sem_alloc : memref<!tpu.dma_semaphore, #tpu.memory_space<semaphore_mem>>
      %dma_start3A_7 = arith.constant 0 : i32
      %dma_start3A_8 = tpu.memref_slice %arg3[%multiple_of3A, %dma_start3A_7] : memref<2048x1024xf32, #tpu.memory_space<hbm>> -> memref<64x1024xf32, #tpu.memory_space<hbm>>
      %dma_start3A_9 = arith.constant 0 : i32
      %dma_start3A_10 = tpu.memref_slice %arg3[%multiple_of3A, %dma_start3A_9] : memref<2048x1024xf32, #tpu.memory_space<hbm>> -> memref<64x1024xf32, #tpu.memory_space<hbm>>
      tpu.enqueue_dma source(%dma_start3A_10 : memref<64x1024xf32, #tpu.memory_space<hbm>>) target(%arg6 : memref<64x1024xf32, #tpu.memory_space<vmem>>) target_semaphore(%run_scoped3A : memref<!tpu.dma_semaphore, #tpu.memory_space<semaphore_mem>>)
      %dma_wait3A_11 = arith.constant 0 : i32
      %dma_wait3A_12 = tpu.memref_slice %arg3[%multiple_of3A, %dma_wait3A_11] : memref<2048x1024xf32, #tpu.memory_space<hbm>> -> memref<64x1024xf32, #tpu.memory_space<hbm>>
      %dma_wait3A_13 = arith.constant 0 : i32
      %dma_wait3A_14 = tpu.memref_slice %arg3[%multiple_of3A, %dma_wait3A_13] : memref<2048x1024xf32, #tpu.memory_space<hbm>> -> memref<64x1024xf32, #tpu.memory_space<hbm>>
      tpu.wait_dma2 semaphore(%run_scoped3A : memref<!tpu.dma_semaphore, #tpu.memory_space<semaphore_mem>>) src(%dma_wait3A_14 : memref<64x1024xf32, #tpu.memory_space<hbm>>) dst(%arg6 : memref<64x1024xf32, #tpu.memory_space<vmem>>)
      tpu.yield
    }) : () -> ()
    %dma_start3A = arith.constant 0 : i32
    %dma_start3A_3 = arith.constant 0 : i32
    %dma_start3A_4 = tpu.memref_slice %arg4[%dma_start3A, %dma_start3A_3] : memref<6144x1024xf32, #tpu.memory_space<hbm>> -> memref<6144x1024xf32, #tpu.memory_space<hbm>>
    tpu.enqueue_indirect_dma source(%arg6 : memref<64x1024xf32, #tpu.memory_space<vmem>>) target(%dma_start3A_4 : memref<6144x1024xf32, #tpu.memory_space<hbm>>) offsets(%arg5 : memref<64xi32, #tpu.memory_space<vmem>>) semaphore(%arg7 : memref<!tpu.dma_semaphore, #tpu.memory_space<semaphore_mem>>)
    %dma_wait3A = arith.constant 0 : i32
    %dma_wait3A_5 = arith.constant 0 : i32
    %dma_wait3A_6 = tpu.memref_slice %arg4[%dma_wait3A, %dma_wait3A_5] : memref<6144x1024xf32, #tpu.memory_space<hbm>> -> memref<6144x1024xf32, #tpu.memory_space<hbm>>
    tpu.wait_indirect_dma semaphore(%arg7 : memref<!tpu.dma_semaphore, #tpu.memory_space<semaphore_mem>>) src(%arg6 : memref<64x1024xf32, #tpu.memory_space<vmem>>) dst(%dma_wait3A_6 : memref<6144x1024xf32, #tpu.memory_space<hbm>>)
    return
  }
}

#map = affine_map<(d0, d1) -> (0)>
#map1 = affine_map<(d0, d1) -> (0, 0)>
module attributes {stable_mosaic.version = 14 : i64} {
  func.func @_combine_body(%arg0: i32, %arg1: i32, %arg2: memref<2048xi32, #tpu.memory_space<hbm>>, %arg3: memref<6144x1024xf32, #tpu.memory_space<hbm>>, %arg4: memref<2048x1024xf32, #tpu.memory_space<hbm>>, %arg5: memref<64xi32, #tpu.memory_space<vmem>>, %arg6: memref<64x1024xf32, #tpu.memory_space<vmem>>, %arg7: memref<!tpu.dma_semaphore, #tpu.memory_space<semaphore_mem>>) attributes {dimension_semantics = [#tpu.dimension_semantics<core_parallel>, #tpu.dimension_semantics<subcore_parallel>], iteration_bounds = array<i64: 2, 16>, scalar_prefetch = 0 : i64, scratch_operands = 3 : i64, tpu.core_type = #tpu.core_type<sc_vector_subcore>, window_params = [{transform_indices = #map}, {transform_indices = #map1}, {transform_indices = #map1}]} {
    %mul3A = arith.constant 2 : i32
    %mul3A_0 = arith.muli %arg1, %mul3A : i32
    %add3A = arith.addi %mul3A_0, %arg0 : i32
    %mul3A_1 = arith.constant 64 : i32
    %mul3A_2 = arith.muli %add3A, %mul3A_1 : i32
    %multiple_of3A = tpu.assume_multiple %mul3A_2, 8 : i32
    "tpu.region"() ({
      %run_scoped3A = tpu.sem_alloc : memref<!tpu.dma_semaphore, #tpu.memory_space<semaphore_mem>>
      %dma_start3A_7 = tpu.memref_slice %arg2[%multiple_of3A] : memref<2048xi32, #tpu.memory_space<hbm>> -> memref<64xi32, #tpu.memory_space<hbm>>
      %dma_start3A_8 = tpu.memref_slice %arg2[%multiple_of3A] : memref<2048xi32, #tpu.memory_space<hbm>> -> memref<64xi32, #tpu.memory_space<hbm>>
      tpu.enqueue_dma source(%dma_start3A_8 : memref<64xi32, #tpu.memory_space<hbm>>) target(%arg5 : memref<64xi32, #tpu.memory_space<vmem>>) target_semaphore(%run_scoped3A : memref<!tpu.dma_semaphore, #tpu.memory_space<semaphore_mem>>)
      %dma_wait3A_9 = tpu.memref_slice %arg2[%multiple_of3A] : memref<2048xi32, #tpu.memory_space<hbm>> -> memref<64xi32, #tpu.memory_space<hbm>>
      %dma_wait3A_10 = tpu.memref_slice %arg2[%multiple_of3A] : memref<2048xi32, #tpu.memory_space<hbm>> -> memref<64xi32, #tpu.memory_space<hbm>>
      tpu.wait_dma2 semaphore(%run_scoped3A : memref<!tpu.dma_semaphore, #tpu.memory_space<semaphore_mem>>) src(%dma_wait3A_10 : memref<64xi32, #tpu.memory_space<hbm>>) dst(%arg5 : memref<64xi32, #tpu.memory_space<vmem>>)
      tpu.yield
    }) : () -> ()
    %dma_start3A = arith.constant 0 : i32
    %dma_start3A_3 = arith.constant 0 : i32
    %dma_start3A_4 = tpu.memref_slice %arg3[%dma_start3A, %dma_start3A_3] : memref<6144x1024xf32, #tpu.memory_space<hbm>> -> memref<6144x1024xf32, #tpu.memory_space<hbm>>
    tpu.enqueue_indirect_dma source(%dma_start3A_4 : memref<6144x1024xf32, #tpu.memory_space<hbm>>) target(%arg6 : memref<64x1024xf32, #tpu.memory_space<vmem>>) offsets(%arg5 : memref<64xi32, #tpu.memory_space<vmem>>) semaphore(%arg7 : memref<!tpu.dma_semaphore, #tpu.memory_space<semaphore_mem>>)
    %dma_wait3A = arith.constant 0 : i32
    %dma_wait3A_5 = arith.constant 0 : i32
    %dma_wait3A_6 = tpu.memref_slice %arg3[%dma_wait3A, %dma_wait3A_5] : memref<6144x1024xf32, #tpu.memory_space<hbm>> -> memref<6144x1024xf32, #tpu.memory_space<hbm>>
    tpu.wait_indirect_dma semaphore(%arg7 : memref<!tpu.dma_semaphore, #tpu.memory_space<semaphore_mem>>) src(%dma_wait3A_6 : memref<6144x1024xf32, #tpu.memory_space<hbm>>) dst(%arg6 : memref<64x1024xf32, #tpu.memory_space<vmem>>)
    "tpu.region"() ({
      %run_scoped3A = tpu.sem_alloc : memref<!tpu.dma_semaphore, #tpu.memory_space<semaphore_mem>>
      %dma_start3A_7 = arith.constant 0 : i32
      %dma_start3A_8 = tpu.memref_slice %arg4[%multiple_of3A, %dma_start3A_7] : memref<2048x1024xf32, #tpu.memory_space<hbm>> -> memref<64x1024xf32, #tpu.memory_space<hbm>>
      %dma_start3A_9 = arith.constant 0 : i32
      %dma_start3A_10 = tpu.memref_slice %arg4[%multiple_of3A, %dma_start3A_9] : memref<2048x1024xf32, #tpu.memory_space<hbm>> -> memref<64x1024xf32, #tpu.memory_space<hbm>>
      tpu.enqueue_dma source(%arg6 : memref<64x1024xf32, #tpu.memory_space<vmem>>) target(%dma_start3A_10 : memref<64x1024xf32, #tpu.memory_space<hbm>>) target_semaphore(%run_scoped3A : memref<!tpu.dma_semaphore, #tpu.memory_space<semaphore_mem>>)
      %dma_wait3A_11 = arith.constant 0 : i32
      %dma_wait3A_12 = tpu.memref_slice %arg4[%multiple_of3A, %dma_wait3A_11] : memref<2048x1024xf32, #tpu.memory_space<hbm>> -> memref<64x1024xf32, #tpu.memory_space<hbm>>
      %dma_wait3A_13 = arith.constant 0 : i32
      %dma_wait3A_14 = tpu.memref_slice %arg4[%multiple_of3A, %dma_wait3A_13] : memref<2048x1024xf32, #tpu.memory_space<hbm>> -> memref<64x1024xf32, #tpu.memory_space<hbm>>
      tpu.wait_dma2 semaphore(%run_scoped3A : memref<!tpu.dma_semaphore, #tpu.memory_space<semaphore_mem>>) src(%arg6 : memref<64x1024xf32, #tpu.memory_space<vmem>>) dst(%dma_wait3A_14 : memref<64x1024xf32, #tpu.memory_space<hbm>>)
      tpu.yield
    }) : () -> ()
    return
  }
}

module attributes {stable_mosaic.version = 14 : i64} {
  func.func @_router_body(%arg0: i32, %arg1: memref<256x1024xf32, #tpu.memory_space<vmem>>, %arg2: memref<1024x32xf32, #tpu.memory_space<vmem>>, %arg3: memref<2048x1xi32, #tpu.memory_space<vmem>>, %arg4: memref<256x128xf32, #tpu.memory_space<vmem>>, %arg5: memref<1x16xi32, #tpu.memory_space<vmem>>, %arg6: memref<1x16xi32, #tpu.memory_space<vmem>>, %arg7: memref<64x1xi32, #tpu.memory_space<vmem>>, %arg8: memref<2x16xf32, #tpu.memory_space<vmem>>, %arg9: memref<2048x4xf32, #tpu.memory_space<vmem>>) attributes {dimension_semantics = [#tpu.dimension_semantics<arbitrary>], iteration_bounds = array<i64: 9>, scalar_prefetch = 0 : i64, scratch_operands = 2 : i64, tpu.core_type = #tpu.core_type<tc>, window_params = [{transform_indices = @transform_0, window_bounds = array<i64: 256, 1024>}, {pipeline_mode = #tpu.pipeline_mode<synchronous>, transform_indices = @transform_1, window_bounds = array<i64: 1024, 32>}, {pipeline_mode = #tpu.pipeline_mode<synchronous>, transform_indices = @transform_2, window_bounds = array<i64: 2048, 1>}, {transform_indices = @transform_3, window_bounds = array<i64: 256, 128>}, {pipeline_mode = #tpu.pipeline_mode<synchronous>, transform_indices = @transform_4, window_bounds = array<i64: 1, 16>}, {pipeline_mode = #tpu.pipeline_mode<synchronous>, transform_indices = @transform_5, window_bounds = array<i64: 1, 16>}, {pipeline_mode = #tpu.pipeline_mode<synchronous>, transform_indices = @transform_6, window_bounds = array<i64: 64, 1>}]} {
    %iota3A = tpu.iota {dimensions = array<i32: 1>} : vector<256x4xi32>
    %iota3A_0 = tpu.iota {dimensions = array<i32: 1>} : vector<256x16xi32>
    %eq3A = arith.constant 0 : i32
    %eq3A_1 = arith.cmpi eq, %arg0, %eq3A : i32
    %convert_element_type3A = arith.extui %eq3A_1 : i1 to i32
    %cond3A = arith.constant 0 : i32
    %cond3A_2 = arith.cmpi ne, %convert_element_type3A, %cond3A : i32
    scf.if %cond3A_2 {
      %broadcast_in_dim3A = arith.constant 0.000000e+00 : f32
      %broadcast_in_dim3A_12 = vector.broadcast %broadcast_in_dim3A : f32 to vector<2x16xf32>
      %swap3A = arith.constant 0 : index
      %swap3A_13 = arith.constant 0 : index
      %swap3A_14 = vector.load %arg8[%swap3A, %swap3A_13] : memref<2x16xf32, #tpu.memory_space<vmem>>, vector<2x16xf32>
      tpu.vector_store %arg8[%swap3A, %swap3A_13], %broadcast_in_dim3A_12 {strides = array<i32>} : memref<2x16xf32, #tpu.memory_space<vmem>>, vector<2x16xf32>,
    } else {
    }
    %lt3A = arith.constant 8 : i32
    %lt3A_3 = arith.cmpi slt, %arg0, %lt3A : i32
    %convert_element_type3A_4 = arith.extui %lt3A_3 : i1 to i32
    %cond3A_5 = arith.constant 0 : i32
    %cond3A_6 = arith.cmpi ne, %convert_element_type3A_4, %cond3A_5 : i32
    scf.if %cond3A_6 {
      %get3A = arith.constant 0 : index
      %get3A_12 = arith.constant 0 : index
      %get3A_13 = vector.load %arg1[%get3A, %get3A_12] : memref<256x1024xf32, #tpu.memory_space<vmem>>, vector<256x1024xf32>
      %get3A_14 = arith.constant 0 : index
      %get3A_15 = arith.constant 0 : index
      %get3A_16 = vector.load %arg2[%get3A_14, %get3A_15] : memref<1024x32xf32, #tpu.memory_space<vmem>>, vector<1024x32xf32>
      %dot_general3A = arith.constant dense<0.000000e+00> : vector<256x32xf32>
      %dot_general3A_17 = tpu.matmul %get3A_13, %get3A_16, %dot_general3A {dimension_numbers = #tpu.dot_dimension_numbers<[1], [0], [0], [1], [0, 0, 1, 1], [], []>, transpose_lhs_hint = false} : vector<256x1024xf32>, vector<1024x32xf32>, vector<256x32xf32> -> vector<256x32xf32>
      %slice3A = vector.extract_strided_slice %dot_general3A_17 {offsets = [0, 0], sizes = [256, 1], strides = [1, 1]} : vector<256x32xf32> to vector<256x1xf32>
      %slice3A_18 = vector.extract_strided_slice %dot_general3A_17 {offsets = [0, 1], sizes = [256, 1], strides = [1, 1]} : vector<256x32xf32> to vector<256x1xf32>
      %slice3A_19 = vector.extract_strided_slice %dot_general3A_17 {offsets = [0, 2], sizes = [256, 1], strides = [1, 1]} : vector<256x32xf32> to vector<256x1xf32>
      %slice3A_20 = vector.extract_strided_slice %dot_general3A_17 {offsets = [0, 3], sizes = [256, 1], strides = [1, 1]} : vector<256x32xf32> to vector<256x1xf32>
      %slice3A_21 = vector.extract_strided_slice %dot_general3A_17 {offsets = [0, 4], sizes = [256, 1], strides = [1, 1]} : vector<256x32xf32> to vector<256x1xf32>
      %slice3A_22 = vector.extract_strided_slice %dot_general3A_17 {offsets = [0, 5], sizes = [256, 1], strides = [1, 1]} : vector<256x32xf32> to vector<256x1xf32>
      %slice3A_23 = vector.extract_strided_slice %dot_general3A_17 {offsets = [0, 6], sizes = [256, 1], strides = [1, 1]} : vector<256x32xf32> to vector<256x1xf32>
      %slice3A_24 = vector.extract_strided_slice %dot_general3A_17 {offsets = [0, 7], sizes = [256, 1], strides = [1, 1]} : vector<256x32xf32> to vector<256x1xf32>
      %slice3A_25 = vector.extract_strided_slice %dot_general3A_17 {offsets = [0, 8], sizes = [256, 1], strides = [1, 1]} : vector<256x32xf32> to vector<256x1xf32>
      %slice3A_26 = vector.extract_strided_slice %dot_general3A_17 {offsets = [0, 9], sizes = [256, 1], strides = [1, 1]} : vector<256x32xf32> to vector<256x1xf32>
      %slice3A_27 = vector.extract_strided_slice %dot_general3A_17 {offsets = [0, 10], sizes = [256, 1], strides = [1, 1]} : vector<256x32xf32> to vector<256x1xf32>
      %slice3A_28 = vector.extract_strided_slice %dot_general3A_17 {offsets = [0, 11], sizes = [256, 1], strides = [1, 1]} : vector<256x32xf32> to vector<256x1xf32>
      %slice3A_29 = vector.extract_strided_slice %dot_general3A_17 {offsets = [0, 12], sizes = [256, 1], strides = [1, 1]} : vector<256x32xf32> to vector<256x1xf32>
      %slice3A_30 = vector.extract_strided_slice %dot_general3A_17 {offsets = [0, 13], sizes = [256, 1], strides = [1, 1]} : vector<256x32xf32> to vector<256x1xf32>
      %slice3A_31 = vector.extract_strided_slice %dot_general3A_17 {offsets = [0, 14], sizes = [256, 1], strides = [1, 1]} : vector<256x32xf32> to vector<256x1xf32>
      %slice3A_32 = vector.extract_strided_slice %dot_general3A_17 {offsets = [0, 15], sizes = [256, 1], strides = [1, 1]} : vector<256x32xf32> to vector<256x1xf32>
      %slice3A_33 = vector.extract_strided_slice %dot_general3A_17 {offsets = [0, 16], sizes = [256, 1], strides = [1, 1]} : vector<256x32xf32> to vector<256x1xf32>
      %slice3A_34 = vector.extract_strided_slice %dot_general3A_17 {offsets = [0, 17], sizes = [256, 1], strides = [1, 1]} : vector<256x32xf32> to vector<256x1xf32>
      %slice3A_35 = vector.extract_strided_slice %dot_general3A_17 {offsets = [0, 18], sizes = [256, 1], strides = [1, 1]} : vector<256x32xf32> to vector<256x1xf32>
      %slice3A_36 = vector.extract_strided_slice %dot_general3A_17 {offsets = [0, 19], sizes = [256, 1], strides = [1, 1]} : vector<256x32xf32> to vector<256x1xf32>
      %max3A = arith.maximumf %slice3A, %slice3A_18 : vector<256x1xf32>
      %max3A_37 = arith.maximumf %slice3A_19, %slice3A_20 : vector<256x1xf32>
      %max3A_38 = arith.maximumf %max3A, %max3A_37 : vector<256x1xf32>
      %sub3A = arith.subf %slice3A, %max3A_38 : vector<256x1xf32>
      %exp3A = math.exp %sub3A : vector<256x1xf32>
      %sub3A_39 = arith.subf %slice3A_18, %max3A_38 : vector<256x1xf32>
      %exp3A_40 = math.exp %sub3A_39 : vector<256x1xf32>
      %add3A = arith.addf %exp3A, %exp3A_40 : vector<256x1xf32>
      %sub3A_41 = arith.subf %slice3A_19, %max3A_38 : vector<256x1xf32>
      %exp3A_42 = math.exp %sub3A_41 : vector<256x1xf32>
      %add3A_43 = arith.addf %add3A, %exp3A_42 : vector<256x1xf32>
      %sub3A_44 = arith.subf %slice3A_20, %max3A_38 : vector<256x1xf32>
      %exp3A_45 = math.exp %sub3A_44 : vector<256x1xf32>
      %add3A_46 = arith.addf %add3A_43, %exp3A_45 : vector<256x1xf32>
      %ge3A = arith.cmpf oge, %slice3A, %max3A_38 : vector<256x1xf32>
      %ge3A_47 = arith.cmpf oge, %slice3A_18, %max3A_38 : vector<256x1xf32>
      %ge3A_48 = arith.cmpf oge, %slice3A_19, %max3A_38 : vector<256x1xf32>
      %jit3A = arith.constant 2 : i32
      %jit3A_49 = arith.constant 3 : i32
      %broadcast_in_dim3A = vector.broadcast %jit3A : i32 to vector<256x1xi32>
      %broadcast_in_dim3A_50 = vector.broadcast %jit3A_49 : i32 to vector<256x1xi32>
      %select_n3A = arith.select %ge3A_48, %broadcast_in_dim3A, %broadcast_in_dim3A_50 : vector<256x1xi1>, vector<256x1xi32>
      %jit3A_51 = arith.constant 1 : i32
      %broadcast_in_dim3A_52 = vector.broadcast %jit3A_51 : i32 to vector<256x1xi32>
      %select_n3A_53 = arith.select %ge3A_47, %broadcast_in_dim3A_52, %select_n3A : vector<256x1xi1>, vector<256x1xi32>
      %jit3A_54 = arith.constant 0 : i32
      %broadcast_in_dim3A_55 = vector.broadcast %jit3A_54 : i32 to vector<256x1xi32>
      %select_n3A_56 = arith.select %ge3A, %broadcast_in_dim3A_55, %select_n3A_53 : vector<256x1xi1>, vector<256x1xi32>
      %div3A = arith.constant 1.000000e+00 : f32
      %div3A_57 = vector.broadcast %div3A : f32 to vector<256x1xf32>
      %div3A_58 = arith.divf %div3A_57, %add3A_46 : vector<256x1xf32>
      %broadcast_in_dim3A_59 = arith.constant 0 : i32
      %broadcast_in_dim3A_60 = vector.broadcast %broadcast_in_dim3A_59 : i32 to vector<256x1xi32>
      %broadcast_in_dim3A_61 = arith.constant 0.000000e+00 : f32
      %broadcast_in_dim3A_62 = vector.broadcast %broadcast_in_dim3A_61 : f32 to vector<256x1xf32>
      %max3A_63 = arith.maximumf %slice3A_21, %slice3A_22 : vector<256x1xf32>
      %max3A_64 = arith.maximumf %slice3A_23, %slice3A_24 : vector<256x1xf32>
      %max3A_65 = arith.maximumf %max3A_63, %max3A_64 : vector<256x1xf32>
      %sub3A_66 = arith.subf %slice3A_21, %max3A_65 : vector<256x1xf32>
      %exp3A_67 = math.exp %sub3A_66 : vector<256x1xf32>
      %sub3A_68 = arith.subf %slice3A_22, %max3A_65 : vector<256x1xf32>
      %exp3A_69 = math.exp %sub3A_68 : vector<256x1xf32>
      %add3A_70 = arith.addf %exp3A_67, %exp3A_69 : vector<256x1xf32>
      %sub3A_71 = arith.subf %slice3A_23, %max3A_65 : vector<256x1xf32>
      %exp3A_72 = math.exp %sub3A_71 : vector<256x1xf32>
      %add3A_73 = arith.addf %add3A_70, %exp3A_72 : vector<256x1xf32>
      %sub3A_74 = arith.subf %slice3A_24, %max3A_65 : vector<256x1xf32>
      %exp3A_75 = math.exp %sub3A_74 : vector<256x1xf32>
      %add3A_76 = arith.addf %add3A_73, %exp3A_75 : vector<256x1xf32>
      %ge3A_77 = arith.cmpf oge, %slice3A_21, %max3A_65 : vector<256x1xf32>
      %ge3A_78 = arith.cmpf oge, %slice3A_22, %max3A_65 : vector<256x1xf32>
      %ge3A_79 = arith.cmpf oge, %slice3A_23, %max3A_65 : vector<256x1xf32>
      %jit3A_80 = arith.constant 2 : i32
      %jit3A_81 = arith.constant 3 : i32
      %broadcast_in_dim3A_82 = vector.broadcast %jit3A_80 : i32 to vector<256x1xi32>
      %broadcast_in_dim3A_83 = vector.broadcast %jit3A_81 : i32 to vector<256x1xi32>
      %select_n3A_84 = arith.select %ge3A_79, %broadcast_in_dim3A_82, %broadcast_in_dim3A_83 : vector<256x1xi1>, vector<256x1xi32>
      %jit3A_85 = arith.constant 1 : i32
      %broadcast_in_dim3A_86 = vector.broadcast %jit3A_85 : i32 to vector<256x1xi32>
      %select_n3A_87 = arith.select %ge3A_78, %broadcast_in_dim3A_86, %select_n3A_84 : vector<256x1xi1>, vector<256x1xi32>
      %jit3A_88 = arith.constant 0 : i32
      %broadcast_in_dim3A_89 = vector.broadcast %jit3A_88 : i32 to vector<256x1xi32>
      %select_n3A_90 = arith.select %ge3A_77, %broadcast_in_dim3A_89, %select_n3A_87 : vector<256x1xi1>, vector<256x1xi32>
      %div3A_91 = arith.constant 1.000000e+00 : f32
      %div3A_92 = vector.broadcast %div3A_91 : f32 to vector<256x1xf32>
      %div3A_93 = arith.divf %div3A_92, %add3A_76 : vector<256x1xf32>
      %eq3A_94 = arith.constant 0 : i32
      %eq3A_95 = vector.broadcast %eq3A_94 : i32 to vector<256x1xi32>
      %eq3A_96 = arith.cmpi eq, %select_n3A_56, %eq3A_95 : vector<256x1xi32>
      %select_n3A_97 = arith.select %eq3A_96, %select_n3A_90, %broadcast_in_dim3A_60 : vector<256x1xi1>, vector<256x1xi32>
      %select_n3A_98 = arith.select %eq3A_96, %div3A_93, %broadcast_in_dim3A_62 : vector<256x1xi1>, vector<256x1xf32>
      %max3A_99 = arith.maximumf %slice3A_25, %slice3A_26 : vector<256x1xf32>
      %max3A_100 = arith.maximumf %slice3A_27, %slice3A_28 : vector<256x1xf32>
      %max3A_101 = arith.maximumf %max3A_99, %max3A_100 : vector<256x1xf32>
      %sub3A_102 = arith.subf %slice3A_25, %max3A_101 : vector<256x1xf32>
      %exp3A_103 = math.exp %sub3A_102 : vector<256x1xf32>
      %sub3A_104 = arith.subf %slice3A_26, %max3A_101 : vector<256x1xf32>
      %exp3A_105 = math.exp %sub3A_104 : vector<256x1xf32>
      %add3A_106 = arith.addf %exp3A_103, %exp3A_105 : vector<256x1xf32>
      %sub3A_107 = arith.subf %slice3A_27, %max3A_101 : vector<256x1xf32>
      %exp3A_108 = math.exp %sub3A_107 : vector<256x1xf32>
      %add3A_109 = arith.addf %add3A_106, %exp3A_108 : vector<256x1xf32>
      %sub3A_110 = arith.subf %slice3A_28, %max3A_101 : vector<256x1xf32>
      %exp3A_111 = math.exp %sub3A_110 : vector<256x1xf32>
      %add3A_112 = arith.addf %add3A_109, %exp3A_111 : vector<256x1xf32>
      %ge3A_113 = arith.cmpf oge, %slice3A_25, %max3A_101 : vector<256x1xf32>
      %ge3A_114 = arith.cmpf oge, %slice3A_26, %max3A_101 : vector<256x1xf32>
      %ge3A_115 = arith.cmpf oge, %slice3A_27, %max3A_101 : vector<256x1xf32>
      %jit3A_116 = arith.constant 2 : i32
      %jit3A_117 = arith.constant 3 : i32
      %broadcast_in_dim3A_118 = vector.broadcast %jit3A_116 : i32 to vector<256x1xi32>
      %broadcast_in_dim3A_119 = vector.broadcast %jit3A_117 : i32 to vector<256x1xi32>
      %select_n3A_120 = arith.select %ge3A_115, %broadcast_in_dim3A_118, %broadcast_in_dim3A_119 : vector<256x1xi1>, vector<256x1xi32>
      %jit3A_121 = arith.constant 1 : i32
      %broadcast_in_dim3A_122 = vector.broadcast %jit3A_121 : i32 to vector<256x1xi32>
      %select_n3A_123 = arith.select %ge3A_114, %broadcast_in_dim3A_122, %select_n3A_120 : vector<256x1xi1>, vector<256x1xi32>
      %jit3A_124 = arith.constant 0 : i32
      %broadcast_in_dim3A_125 = vector.broadcast %jit3A_124 : i32 to vector<256x1xi32>
      %select_n3A_126 = arith.select %ge3A_113, %broadcast_in_dim3A_125, %select_n3A_123 : vector<256x1xi1>, vector<256x1xi32>
      %div3A_127 = arith.constant 1.000000e+00 : f32
      %div3A_128 = vector.broadcast %div3A_127 : f32 to vector<256x1xf32>
      %div3A_129 = arith.divf %div3A_128, %add3A_112 : vector<256x1xf32>
      %eq3A_130 = arith.constant 1 : i32
      %eq3A_131 = vector.broadcast %eq3A_130 : i32 to vector<256x1xi32>
      %eq3A_132 = arith.cmpi eq, %select_n3A_56, %eq3A_131 : vector<256x1xi32>
      %select_n3A_133 = arith.select %eq3A_132, %select_n3A_126, %select_n3A_97 : vector<256x1xi1>, vector<256x1xi32>
      %select_n3A_134 = arith.select %eq3A_132, %div3A_129, %select_n3A_98 : vector<256x1xi1>, vector<256x1xf32>
      %max3A_135 = arith.maximumf %slice3A_29, %slice3A_30 : vector<256x1xf32>
      %max3A_136 = arith.maximumf %slice3A_31, %slice3A_32 : vector<256x1xf32>
      %max3A_137 = arith.maximumf %max3A_135, %max3A_136 : vector<256x1xf32>
      %sub3A_138 = arith.subf %slice3A_29, %max3A_137 : vector<256x1xf32>
      %exp3A_139 = math.exp %sub3A_138 : vector<256x1xf32>
      %sub3A_140 = arith.subf %slice3A_30, %max3A_137 : vector<256x1xf32>
      %exp3A_141 = math.exp %sub3A_140 : vector<256x1xf32>
      %add3A_142 = arith.addf %exp3A_139, %exp3A_141 : vector<256x1xf32>
      %sub3A_143 = arith.subf %slice3A_31, %max3A_137 : vector<256x1xf32>
      %exp3A_144 = math.exp %sub3A_143 : vector<256x1xf32>
      %add3A_145 = arith.addf %add3A_142, %exp3A_144 : vector<256x1xf32>
      %sub3A_146 = arith.subf %slice3A_32, %max3A_137 : vector<256x1xf32>
      %exp3A_147 = math.exp %sub3A_146 : vector<256x1xf32>
      %add3A_148 = arith.addf %add3A_145, %exp3A_147 : vector<256x1xf32>
      %ge3A_149 = arith.cmpf oge, %slice3A_29, %max3A_137 : vector<256x1xf32>
      %ge3A_150 = arith.cmpf oge, %slice3A_30, %max3A_137 : vector<256x1xf32>
      %ge3A_151 = arith.cmpf oge, %slice3A_31, %max3A_137 : vector<256x1xf32>
      %jit3A_152 = arith.constant 2 : i32
      %jit3A_153 = arith.constant 3 : i32
      %broadcast_in_dim3A_154 = vector.broadcast %jit3A_152 : i32 to vector<256x1xi32>
      %broadcast_in_dim3A_155 = vector.broadcast %jit3A_153 : i32 to vector<256x1xi32>
      %select_n3A_156 = arith.select %ge3A_151, %broadcast_in_dim3A_154, %broadcast_in_dim3A_155 : vector<256x1xi1>, vector<256x1xi32>
      %jit3A_157 = arith.constant 1 : i32
      %broadcast_in_dim3A_158 = vector.broadcast %jit3A_157 : i32 to vector<256x1xi32>
      %select_n3A_159 = arith.select %ge3A_150, %broadcast_in_dim3A_158, %select_n3A_156 : vector<256x1xi1>, vector<256x1xi32>
      %jit3A_160 = arith.constant 0 : i32
      %broadcast_in_dim3A_161 = vector.broadcast %jit3A_160 : i32 to vector<256x1xi32>
      %select_n3A_162 = arith.select %ge3A_149, %broadcast_in_dim3A_161, %select_n3A_159 : vector<256x1xi1>, vector<256x1xi32>
      %div3A_163 = arith.constant 1.000000e+00 : f32
      %div3A_164 = vector.broadcast %div3A_163 : f32 to vector<256x1xf32>
      %div3A_165 = arith.divf %div3A_164, %add3A_148 : vector<256x1xf32>
      %eq3A_166 = arith.constant 2 : i32
      %eq3A_167 = vector.broadcast %eq3A_166 : i32 to vector<256x1xi32>
      %eq3A_168 = arith.cmpi eq, %select_n3A_56, %eq3A_167 : vector<256x1xi32>
      %select_n3A_169 = arith.select %eq3A_168, %select_n3A_162, %select_n3A_133 : vector<256x1xi1>, vector<256x1xi32>
      %select_n3A_170 = arith.select %eq3A_168, %div3A_165, %select_n3A_134 : vector<256x1xi1>, vector<256x1xf32>
      %max3A_171 = arith.maximumf %slice3A_33, %slice3A_34 : vector<256x1xf32>
      %max3A_172 = arith.maximumf %slice3A_35, %slice3A_36 : vector<256x1xf32>
      %max3A_173 = arith.maximumf %max3A_171, %max3A_172 : vector<256x1xf32>
      %sub3A_174 = arith.subf %slice3A_33, %max3A_173 : vector<256x1xf32>
      %exp3A_175 = math.exp %sub3A_174 : vector<256x1xf32>
      %sub3A_176 = arith.subf %slice3A_34, %max3A_173 : vector<256x1xf32>
      %exp3A_177 = math.exp %sub3A_176 : vector<256x1xf32>
      %add3A_178 = arith.addf %exp3A_175, %exp3A_177 : vector<256x1xf32>
      %sub3A_179 = arith.subf %slice3A_35, %max3A_173 : vector<256x1xf32>
      %exp3A_180 = math.exp %sub3A_179 : vector<256x1xf32>
      %add3A_181 = arith.addf %add3A_178, %exp3A_180 : vector<256x1xf32>
      %sub3A_182 = arith.subf %slice3A_36, %max3A_173 : vector<256x1xf32>
      %exp3A_183 = math.exp %sub3A_182 : vector<256x1xf32>
      %add3A_184 = arith.addf %add3A_181, %exp3A_183 : vector<256x1xf32>
      %ge3A_185 = arith.cmpf oge, %slice3A_33, %max3A_173 : vector<256x1xf32>
      %ge3A_186 = arith.cmpf oge, %slice3A_34, %max3A_173 : vector<256x1xf32>
      %ge3A_187 = arith.cmpf oge, %slice3A_35, %max3A_173 : vector<256x1xf32>
      %jit3A_188 = arith.constant 2 : i32
      %jit3A_189 = arith.constant 3 : i32
      %broadcast_in_dim3A_190 = vector.broadcast %jit3A_188 : i32 to vector<256x1xi32>
      %broadcast_in_dim3A_191 = vector.broadcast %jit3A_189 : i32 to vector<256x1xi32>
      %select_n3A_192 = arith.select %ge3A_187, %broadcast_in_dim3A_190, %broadcast_in_dim3A_191 : vector<256x1xi1>, vector<256x1xi32>
      %jit3A_193 = arith.constant 1 : i32
      %broadcast_in_dim3A_194 = vector.broadcast %jit3A_193 : i32 to vector<256x1xi32>
      %select_n3A_195 = arith.select %ge3A_186, %broadcast_in_dim3A_194, %select_n3A_192 : vector<256x1xi1>, vector<256x1xi32>
      %jit3A_196 = arith.constant 0 : i32
      %broadcast_in_dim3A_197 = vector.broadcast %jit3A_196 : i32 to vector<256x1xi32>
      %select_n3A_198 = arith.select %ge3A_185, %broadcast_in_dim3A_197, %select_n3A_195 : vector<256x1xi1>, vector<256x1xi32>
      %div3A_199 = arith.constant 1.000000e+00 : f32
      %div3A_200 = vector.broadcast %div3A_199 : f32 to vector<256x1xf32>
      %div3A_201 = arith.divf %div3A_200, %add3A_184 : vector<256x1xf32>
      %eq3A_202 = arith.constant 3 : i32
      %eq3A_203 = vector.broadcast %eq3A_202 : i32 to vector<256x1xi32>
      %eq3A_204 = arith.cmpi eq, %select_n3A_56, %eq3A_203 : vector<256x1xi32>
      %select_n3A_205 = arith.select %eq3A_204, %select_n3A_198, %select_n3A_169 : vector<256x1xi1>, vector<256x1xi32>
      %select_n3A_206 = arith.select %eq3A_204, %div3A_201, %select_n3A_170 : vector<256x1xi1>, vector<256x1xf32>
      %iota3A_207 = tpu.iota {dimensions = array<i32: 0>} : vector<256x256xi32>
      %iota3A_208 = tpu.iota {dimensions = array<i32: 1>} : vector<256x256xi32>
      %ge3A_209 = arith.cmpi sge, %iota3A_207, %iota3A_208 : vector<256x256xi32>
      %convert_element_type3A_210 = arith.extui %ge3A_209 : vector<256x256xi1> to vector<256x256xi32>
      %convert_element_type3A_211 = arith.sitofp %convert_element_type3A_210 : vector<256x256xi32> to vector<256x256xf32>
      %get3A_212 = arith.constant 0 : index
      %get3A_213 = arith.constant 0 : index
      %get3A_214 = vector.load %arg8[%get3A_212, %get3A_213] : memref<2x16xf32, #tpu.memory_space<vmem>>, vector<1x4xf32>
      %get3A_215 = arith.constant 1 : index
      %get3A_216 = arith.constant 0 : index
      %get3A_217 = vector.load %arg8[%get3A_215, %get3A_216] : memref<2x16xf32, #tpu.memory_space<vmem>>, vector<1x16xf32>
      %eq3A_218 = vector.broadcast %select_n3A_56 : vector<256x1xi32> to vector<256x4xi32>
      %eq3A_219 = arith.cmpi eq, %iota3A, %eq3A_218 : vector<256x4xi32>
      %convert_element_type3A_220 = arith.extui %eq3A_219 : vector<256x4xi1> to vector<256x4xi32>
      %convert_element_type3A_221 = arith.sitofp %convert_element_type3A_220 : vector<256x4xi32> to vector<256x4xf32>
      %dot_general3A_222 = arith.constant dense<0.000000e+00> : vector<256x4xf32>
      %dot_general3A_223 = tpu.matmul %convert_element_type3A_211, %convert_element_type3A_221, %dot_general3A_222 {dimension_numbers = #tpu.dot_dimension_numbers<[1], [0], [0], [1], [0, 0, 1, 1], [], []>, transpose_lhs_hint = false} : vector<256x256xf32>, vector<256x4xf32>, vector<256x4xf32> -> vector<256x4xf32>
      %add3A_224 = vector.broadcast %get3A_214 : vector<1x4xf32> to vector<256x4xf32>
      %add3A_225 = arith.addf %dot_general3A_223, %add3A_224 : vector<256x4xf32>
      %mul3A = arith.mulf %add3A_225, %convert_element_type3A_221 : vector<256x4xf32>
      %reduce_sum3A = arith.constant dense<0.000000e+00> : vector<256xf32>
      %reduce_sum3A_226 = vector.multi_reduction <add>, %mul3A, %reduce_sum3A [1] : vector<256x4xf32> to vector<256xf32>
      %broadcast_in_dim3A_227 = vector.shape_cast %reduce_sum3A_226 : vector<256xf32> to vector<256x1xf32>
      %sub3A_228 = arith.constant 1.000000e+00 : f32
      %sub3A_229 = vector.broadcast %sub3A_228 : f32 to vector<256x1xf32>
      %sub3A_230 = arith.subf %broadcast_in_dim3A_227, %sub3A_229 : vector<256x1xf32>
      %lt3A_231 = arith.constant 1.024000e+03 : f32
      %lt3A_232 = vector.broadcast %lt3A_231 : f32 to vector<256x1xf32>
      %lt3A_233 = arith.cmpf olt, %sub3A_230, %lt3A_232 : vector<256x1xf32>
      %mul3A_234 = arith.constant 4 : i32
      %mul3A_235 = vector.broadcast %mul3A_234 : i32 to vector<256x1xi32>
      %mul3A_236 = arith.muli %select_n3A_56, %mul3A_235 : vector<256x1xi32>
      %add3A_237 = arith.addi %mul3A_236, %select_n3A_205 : vector<256x1xi32>
      %eq3A_238 = vector.broadcast %add3A_237 : vector<256x1xi32> to vector<256x16xi32>
      %eq3A_239 = arith.cmpi eq, %iota3A_0, %eq3A_238 : vector<256x16xi32>
      %and3A = vector.broadcast %lt3A_233 : vector<256x1xi1> to vector<256x16xi1>
      %and3A_240 = arith.andi %eq3A_239, %and3A : vector<256x16xi1>
      %convert_element_type3A_241 = arith.extui %and3A_240 : vector<256x16xi1> to vector<256x16xi32>
      %convert_element_type3A_242 = arith.sitofp %convert_element_type3A_241 : vector<256x16xi32> to vector<256x16xf32>
      %dot_general3A_243 = arith.constant dense<0.000000e+00> : vector<256x16xf32>
      %dot_general3A_244 = tpu.matmul %convert_element_type3A_211, %convert_element_type3A_242, %dot_general3A_243 {dimension_numbers = #tpu.dot_dimension_numbers<[1], [0], [0], [1], [0, 0, 1, 1], [], []>, transpose_lhs_hint = false} : vector<256x256xf32>, vector<256x16xf32>, vector<256x16xf32> -> vector<256x16xf32>
      %add3A_245 = vector.broadcast %get3A_217 : vector<1x16xf32> to vector<256x16xf32>
      %add3A_246 = arith.addf %dot_general3A_244, %add3A_245 : vector<256x16xf32>
      %mul3A_247 = arith.mulf %add3A_246, %convert_element_type3A_242 : vector<256x16xf32>
      %reduce_sum3A_248 = arith.constant dense<0.000000e+00> : vector<256xf32>
      %reduce_sum3A_249 = vector.multi_reduction <add>, %mul3A_247, %reduce_sum3A_248 [1] : vector<256x16xf32> to vector<256xf32>
      %broadcast_in_dim3A_250 = vector.shape_cast %reduce_sum3A_249 : vector<256xf32> to vector<256x1xf32>
      %sub3A_251 = arith.constant 1.000000e+00 : f32
      %sub3A_252 = vector.broadcast %sub3A_251 : f32 to vector<256x1xf32>
      %sub3A_253 = arith.subf %broadcast_in_dim3A_250, %sub3A_252 : vector<256x1xf32>
      %lt3A_254 = arith.constant 5.120000e+02 : f32
      %lt3A_255 = vector.broadcast %lt3A_254 : f32 to vector<256x1xf32>
      %lt3A_256 = arith.cmpf olt, %sub3A_253, %lt3A_255 : vector<256x1xf32>
      %and3A_257 = arith.andi %lt3A_256, %lt3A_233 : vector<256x1xi1>
      %ge3A_258 = arith.constant 0.000000e+00 : f32
      %ge3A_259 = vector.broadcast %ge3A_258 : f32 to vector<256x1xf32>
      %ge3A_260 = arith.cmpf oge, %sub3A_253, %ge3A_259 : vector<256x1xf32>
      %and3A_261 = arith.andi %and3A_257, %ge3A_260 : vector<256x1xi1>
      %reduce_sum3A_262 = arith.constant dense<0.000000e+00> : vector<4xf32>
      %reduce_sum3A_263 = vector.multi_reduction <add>, %convert_element_type3A_221, %reduce_sum3A_262 [0] : vector<256x4xf32> to vector<4xf32>
      %broadcast_in_dim3A_264 = vector.shape_cast %reduce_sum3A_263 : vector<4xf32> to vector<1x4xf32>
      %add3A_265 = arith.addf %get3A_214, %broadcast_in_dim3A_264 : vector<1x4xf32>
      %swap3A = arith.constant 0 : index
      %swap3A_266 = arith.constant 0 : index
      %swap3A_267 = vector.load %arg8[%swap3A, %swap3A_266] : memref<2x16xf32, #tpu.memory_space<vmem>>, vector<1x4xf32>
      tpu.vector_store %arg8[%swap3A, %swap3A_266], %add3A_265 {strides = array<i32>} : memref<2x16xf32, #tpu.memory_space<vmem>>, vector<1x4xf32>,
      %reduce_sum3A_268 = arith.constant dense<0.000000e+00> : vector<16xf32>
      %reduce_sum3A_269 = vector.multi_reduction <add>, %convert_element_type3A_242, %reduce_sum3A_268 [0] : vector<256x16xf32> to vector<16xf32>
      %broadcast_in_dim3A_270 = vector.shape_cast %reduce_sum3A_269 : vector<16xf32> to vector<1x16xf32>
      %add3A_271 = arith.addf %get3A_217, %broadcast_in_dim3A_270 : vector<1x16xf32>
      %swap3A_272 = arith.constant 1 : index
      %swap3A_273 = arith.constant 0 : index
      %swap3A_274 = vector.load %arg8[%swap3A_272, %swap3A_273] : memref<2x16xf32, #tpu.memory_space<vmem>>, vector<1x16xf32>
      tpu.vector_store %arg8[%swap3A_272, %swap3A_273], %add3A_271 {strides = array<i32>} : memref<2x16xf32, #tpu.memory_space<vmem>>, vector<1x16xf32>,
      %mul3A_275 = arith.mulf %div3A_58, %select_n3A_206 : vector<256x1xf32>
      %jit3A_276 = arith.constant 0.000000e+00 : f32
      %broadcast_in_dim3A_277 = vector.broadcast %jit3A_276 : f32 to vector<256x1xf32>
      %select_n3A_278 = arith.select %and3A_261, %mul3A_275, %broadcast_in_dim3A_277 : vector<256x1xi1>, vector<256x1xf32>
      %mul3A_279 = arith.constant 256 : i32
      %mul3A_280 = arith.muli %arg0, %mul3A_279 : i32
      %convert_element_type3A_281 = arith.sitofp %add3A_237 : vector<256x1xi32> to vector<256x1xf32>
      %swap3A_282 = arith.index_cast %mul3A_280 : i32 to index
      %swap3A_283 = arith.constant 0 : index
      %swap3A_284 = vector.load %arg9[%swap3A_282, %swap3A_283] : memref<2048x4xf32, #tpu.memory_space<vmem>>, vector<256x1xf32>
      tpu.vector_store %arg9[%swap3A_282, %swap3A_283], %convert_element_type3A_281 {strides = array<i32>} : memref<2048x4xf32, #tpu.memory_space<vmem>>, vector<256x1xf32>,
      %swap3A_285 = arith.index_cast %mul3A_280 : i32 to index
      %swap3A_286 = arith.constant 1 : index
      %swap3A_287 = vector.load %arg9[%swap3A_285, %swap3A_286] : memref<2048x4xf32, #tpu.memory_space<vmem>>, vector<256x1xf32>
      tpu.vector_store %arg9[%swap3A_285, %swap3A_286], %sub3A_253 {strides = array<i32>} : memref<2048x4xf32, #tpu.memory_space<vmem>>, vector<256x1xf32>,
      %convert_element_type3A_288 = arith.extui %and3A_261 : vector<256x1xi1> to vector<256x1xi32>
      %convert_element_type3A_289 = arith.sitofp %convert_element_type3A_288 : vector<256x1xi32> to vector<256x1xf32>
      %swap3A_290 = arith.index_cast %mul3A_280 : i32 to index
      %swap3A_291 = arith.constant 2 : index
      %swap3A_292 = vector.load %arg9[%swap3A_290, %swap3A_291] : memref<2048x4xf32, #tpu.memory_space<vmem>>, vector<256x1xf32>
      tpu.vector_store %arg9[%swap3A_290, %swap3A_291], %convert_element_type3A_289 {strides = array<i32>} : memref<2048x4xf32, #tpu.memory_space<vmem>>, vector<256x1xf32>,
      %broadcast_in_dim3A_293 = vector.shape_cast %select_n3A_278 : vector<256x1xf32> to vector<256x1xf32>
      %broadcast_in_dim3A_294 = vector.broadcast %broadcast_in_dim3A_293 : vector<256x1xf32> to vector<256x128xf32>
      %swap3A_295 = arith.constant 0 : index
      %swap3A_296 = arith.constant 0 : index
      %swap3A_297 = vector.load %arg4[%swap3A_295, %swap3A_296] : memref<256x128xf32, #tpu.memory_space<vmem>>, vector<256x128xf32>
      tpu.vector_store %arg4[%swap3A_295, %swap3A_296], %broadcast_in_dim3A_294 {strides = array<i32>} : memref<256x128xf32, #tpu.memory_space<vmem>>, vector<256x128xf32>,
    } else {
    }
    %eq3A_7 = arith.constant 8 : i32
    %eq3A_8 = arith.cmpi eq, %arg0, %eq3A_7 : i32
    %convert_element_type3A_9 = arith.extui %eq3A_8 : i1 to i32
    %cond3A_10 = arith.constant 0 : i32
    %cond3A_11 = arith.cmpi ne, %convert_element_type3A_9, %cond3A_10 : i32
    scf.if %cond3A_11 {
      %get3A = arith.constant 1 : index
      %get3A_12 = arith.constant 0 : index
      %get3A_13 = vector.load %arg8[%get3A, %get3A_12] : memref<2x16xf32, #tpu.memory_space<vmem>>, vector<1x16xf32>
      %min3A = arith.constant 5.120000e+02 : f32
      %min3A_14 = vector.broadcast %min3A : f32 to vector<1x16xf32>
      %min3A_15 = arith.minimumf %get3A_13, %min3A_14 : vector<1x16xf32>
      %add3A = arith.constant 2.550000e+02 : f32
      %add3A_16 = vector.broadcast %add3A : f32 to vector<1x16xf32>
      %add3A_17 = arith.addf %min3A_15, %add3A_16 : vector<1x16xf32>
      %div3A = arith.constant 2.560000e+02 : f32
      %div3A_18 = vector.broadcast %div3A : f32 to vector<1x16xf32>
      %div3A_19 = arith.divf %add3A_17, %div3A_18 : vector<1x16xf32>
      %floor3A = math.floor %div3A_19 : vector<1x16xf32>
      %mul3A = arith.constant 2.560000e+02 : f32
      %mul3A_20 = vector.broadcast %mul3A : f32 to vector<1x16xf32>
      %mul3A_21 = arith.mulf %floor3A, %mul3A_20 : vector<1x16xf32>
      %iota3A_22 = tpu.iota {dimensions = array<i32: 0>} : vector<16x16xi32>
      %iota3A_23 = tpu.iota {dimensions = array<i32: 1>} : vector<16x16xi32>
      %lt3A_24 = arith.cmpi slt, %iota3A_22, %iota3A_23 : vector<16x16xi32>
      %convert_element_type3A_25 = arith.extui %lt3A_24 : vector<16x16xi1> to vector<16x16xi32>
      %convert_element_type3A_26 = arith.sitofp %convert_element_type3A_25 : vector<16x16xi32> to vector<16x16xf32>
      %dot_general3A = arith.constant dense<0.000000e+00> : vector<1x16xf32>
      %dot_general3A_27 = tpu.matmul %mul3A_21, %convert_element_type3A_26, %dot_general3A {dimension_numbers = #tpu.dot_dimension_numbers<[1], [0], [0], [1], [0, 0, 1, 1], [], []>, precision = #tpu.contract_precision<fp32>, transpose_lhs_hint = false} : vector<1x16xf32>, vector<16x16xf32>, vector<1x16xf32> -> vector<1x16xf32>
      %div3A_28 = arith.constant 2.560000e+02 : f32
      %div3A_29 = vector.broadcast %div3A_28 : f32 to vector<1x16xf32>
      %div3A_30 = arith.divf %dot_general3A_27, %div3A_29 : vector<1x16xf32>
      %reduce_sum3A = arith.constant dense<0.000000e+00> : vector<1xf32>
      %reduce_sum3A_31 = vector.multi_reduction <add>, %floor3A, %reduce_sum3A [1] : vector<1x16xf32> to vector<1xf32>
      %broadcast_in_dim3A = vector.shape_cast %reduce_sum3A_31 : vector<1xf32> to vector<1x1xf32>
      %iota3A_32 = tpu.iota {dimensions = array<i32: 0>} : vector<64x1xi32>
      %convert_element_type3A_33 = arith.sitofp %iota3A_32 : vector<64x1xi32> to vector<64x1xf32>
      %ge3A = vector.broadcast %convert_element_type3A_33 : vector<64x1xf32> to vector<64x16xf32>
      %ge3A_34 = vector.broadcast %div3A_30 : vector<1x16xf32> to vector<64x16xf32>
      %ge3A_35 = arith.cmpf oge, %ge3A, %ge3A_34 : vector<64x16xf32>
      %convert_element_type3A_36 = arith.extui %ge3A_35 : vector<64x16xi1> to vector<64x16xi32>
      %convert_element_type3A_37 = arith.sitofp %convert_element_type3A_36 : vector<64x16xi32> to vector<64x16xf32>
      %reduce_sum3A_38 = arith.constant dense<0.000000e+00> : vector<64xf32>
      %reduce_sum3A_39 = vector.multi_reduction <add>, %convert_element_type3A_37, %reduce_sum3A_38 [1] : vector<64x16xf32> to vector<64xf32>
      %broadcast_in_dim3A_40 = vector.shape_cast %reduce_sum3A_39 : vector<64xf32> to vector<64x1xf32>
      %sub3A = arith.constant 1.000000e+00 : f32
      %sub3A_41 = vector.broadcast %sub3A : f32 to vector<64x1xf32>
      %sub3A_42 = arith.subf %broadcast_in_dim3A_40, %sub3A_41 : vector<64x1xf32>
      %lt3A_43 = vector.broadcast %broadcast_in_dim3A : vector<1x1xf32> to vector<64x1xf32>
      %lt3A_44 = arith.cmpf olt, %convert_element_type3A_33, %lt3A_43 : vector<64x1xf32>
      %jit3A = arith.constant 1.600000e+01 : f32
      %broadcast_in_dim3A_45 = vector.broadcast %jit3A : f32 to vector<64x1xf32>
      %select_n3A = arith.select %lt3A_44, %sub3A_42, %broadcast_in_dim3A_45 : vector<64x1xi1>, vector<64x1xf32>
      %convert_element_type3A_46 = arith.fptosi %dot_general3A_27 : vector<1x16xf32> to vector<1x16xi32>
      %swap3A = arith.constant 0 : index
      %swap3A_47 = arith.constant 0 : index
      %swap3A_48 = vector.load %arg5[%swap3A, %swap3A_47] : memref<1x16xi32, #tpu.memory_space<vmem>>, vector<1x16xi32>
      tpu.vector_store %arg5[%swap3A, %swap3A_47], %convert_element_type3A_46 {strides = array<i32>} : memref<1x16xi32, #tpu.memory_space<vmem>>, vector<1x16xi32>,
      %convert_element_type3A_49 = arith.fptosi %mul3A_21 : vector<1x16xf32> to vector<1x16xi32>
      %swap3A_50 = arith.constant 0 : index
      %swap3A_51 = arith.constant 0 : index
      %swap3A_52 = vector.load %arg6[%swap3A_50, %swap3A_51] : memref<1x16xi32, #tpu.memory_space<vmem>>, vector<1x16xi32>
      tpu.vector_store %arg6[%swap3A_50, %swap3A_51], %convert_element_type3A_49 {strides = array<i32>} : memref<1x16xi32, #tpu.memory_space<vmem>>, vector<1x16xi32>,
      %convert_element_type3A_53 = arith.fptosi %select_n3A : vector<64x1xf32> to vector<64x1xi32>
      %swap3A_54 = arith.constant 0 : index
      %swap3A_55 = arith.constant 0 : index
      %swap3A_56 = vector.load %arg7[%swap3A_54, %swap3A_55] : memref<64x1xi32, #tpu.memory_space<vmem>>, vector<64x1xi32>
      tpu.vector_store %arg7[%swap3A_54, %swap3A_55], %convert_element_type3A_53 {strides = array<i32>} : memref<64x1xi32, #tpu.memory_space<vmem>>, vector<64x1xi32>,
      %convert_element_type3A_57 = arith.fptosi %dot_general3A_27 : vector<1x16xf32> to vector<1x16xi32>
      %get3A_58 = arith.constant 0 : index
      %get3A_59 = arith.constant 0 : index
      %get3A_60 = vector.load %arg9[%get3A_58, %get3A_59] : memref<2048x4xf32, #tpu.memory_space<vmem>>, vector<256x1xf32>
      %convert_element_type3A_61 = arith.fptosi %get3A_60 : vector<256x1xf32> to vector<256x1xi32>
      %get3A_62 = arith.constant 0 : index
      %get3A_63 = arith.constant 1 : index
      %get3A_64 = vector.load %arg9[%get3A_62, %get3A_63] : memref<2048x4xf32, #tpu.memory_space<vmem>>, vector<256x1xf32>
      %get3A_65 = arith.constant 0 : index
      %get3A_66 = arith.constant 2 : index
      %get3A_67 = vector.load %arg9[%get3A_65, %get3A_66] : memref<2048x4xf32, #tpu.memory_space<vmem>>, vector<256x1xf32>
      %gt3A = arith.constant 0.000000e+00 : f32
      %gt3A_68 = vector.broadcast %gt3A : f32 to vector<256x1xf32>
      %gt3A_69 = arith.cmpf ogt, %get3A_67, %gt3A_68 : vector<256x1xf32>
      %eq3A_70 = vector.broadcast %convert_element_type3A_61 : vector<256x1xi32> to vector<256x16xi32>
      %eq3A_71 = arith.cmpi eq, %iota3A_0, %eq3A_70 : vector<256x16xi32>
      %jit3A_72 = arith.constant 0 : i32
      %broadcast_in_dim3A_73 = vector.shape_cast %convert_element_type3A_57 : vector<1x16xi32> to vector<1x16xi32>
      %broadcast_in_dim3A_74 = vector.broadcast %broadcast_in_dim3A_73 : vector<1x16xi32> to vector<256x16xi32>
      %broadcast_in_dim3A_75 = vector.broadcast %jit3A_72 : i32 to vector<256x16xi32>
      %select_n3A_76 = arith.select %eq3A_71, %broadcast_in_dim3A_74, %broadcast_in_dim3A_75 : vector<256x16xi1>, vector<256x16xi32>
      %reduce_sum3A_77 = arith.constant dense<0> : vector<256xi32>
      %reduce_sum3A_78 = vector.multi_reduction <add>, %select_n3A_76, %reduce_sum3A_77 [1] : vector<256x16xi32> to vector<256xi32>
      %broadcast_in_dim3A_79 = vector.shape_cast %reduce_sum3A_78 : vector<256xi32> to vector<256x1xi32>
      %convert_element_type3A_80 = arith.fptosi %get3A_64 : vector<256x1xf32> to vector<256x1xi32>
      %add3A_81 = arith.addi %broadcast_in_dim3A_79, %convert_element_type3A_80 : vector<256x1xi32>
      %jit3A_82 = arith.constant 6143 : i32
      %broadcast_in_dim3A_83 = vector.broadcast %jit3A_82 : i32 to vector<256x1xi32>
      %select_n3A_84 = arith.select %gt3A_69, %add3A_81, %broadcast_in_dim3A_83 : vector<256x1xi1>, vector<256x1xi32>
      %swap3A_85 = arith.constant 0 : index
      %swap3A_86 = arith.constant 0 : index
      %swap3A_87 = vector.load %arg3[%swap3A_85, %swap3A_86] : memref<2048x1xi32, #tpu.memory_space<vmem>>, vector<256x1xi32>
      tpu.vector_store %arg3[%swap3A_85, %swap3A_86], %select_n3A_84 {strides = array<i32>} : memref<2048x1xi32, #tpu.memory_space<vmem>>, vector<256x1xi32>,
      %get3A_88 = arith.constant 256 : index
      %get3A_89 = arith.constant 0 : index
      %get3A_90 = vector.load %arg9[%get3A_88, %get3A_89] : memref<2048x4xf32, #tpu.memory_space<vmem>>, vector<256x1xf32>
      %convert_element_type3A_91 = arith.fptosi %get3A_90 : vector<256x1xf32> to vector<256x1xi32>
      %get3A_92 = arith.constant 256 : index
      %get3A_93 = arith.constant 1 : index
      %get3A_94 = vector.load %arg9[%get3A_92, %get3A_93] : memref<2048x4xf32, #tpu.memory_space<vmem>>, vector<256x1xf32>
      %get3A_95 = arith.constant 256 : index
      %get3A_96 = arith.constant 2 : index
      %get3A_97 = vector.load %arg9[%get3A_95, %get3A_96] : memref<2048x4xf32, #tpu.memory_space<vmem>>, vector<256x1xf32>
      %gt3A_98 = arith.constant 0.000000e+00 : f32
      %gt3A_99 = vector.broadcast %gt3A_98 : f32 to vector<256x1xf32>
      %gt3A_100 = arith.cmpf ogt, %get3A_97, %gt3A_99 : vector<256x1xf32>
      %eq3A_101 = vector.broadcast %convert_element_type3A_91 : vector<256x1xi32> to vector<256x16xi32>
      %eq3A_102 = arith.cmpi eq, %iota3A_0, %eq3A_101 : vector<256x16xi32>
      %jit3A_103 = arith.constant 0 : i32
      %broadcast_in_dim3A_104 = vector.shape_cast %convert_element_type3A_57 : vector<1x16xi32> to vector<1x16xi32>
      %broadcast_in_dim3A_105 = vector.broadcast %broadcast_in_dim3A_104 : vector<1x16xi32> to vector<256x16xi32>
      %broadcast_in_dim3A_106 = vector.broadcast %jit3A_103 : i32 to vector<256x16xi32>
      %select_n3A_107 = arith.select %eq3A_102, %broadcast_in_dim3A_105, %broadcast_in_dim3A_106 : vector<256x16xi1>, vector<256x16xi32>
      %reduce_sum3A_108 = arith.constant dense<0> : vector<256xi32>
      %reduce_sum3A_109 = vector.multi_reduction <add>, %select_n3A_107, %reduce_sum3A_108 [1] : vector<256x16xi32> to vector<256xi32>
      %broadcast_in_dim3A_110 = vector.shape_cast %reduce_sum3A_109 : vector<256xi32> to vector<256x1xi32>
      %convert_element_type3A_111 = arith.fptosi %get3A_94 : vector<256x1xf32> to vector<256x1xi32>
      %add3A_112 = arith.addi %broadcast_in_dim3A_110, %convert_element_type3A_111 : vector<256x1xi32>
      %jit3A_113 = arith.constant 6143 : i32
      %broadcast_in_dim3A_114 = vector.broadcast %jit3A_113 : i32 to vector<256x1xi32>
      %select_n3A_115 = arith.select %gt3A_100, %add3A_112, %broadcast_in_dim3A_114 : vector<256x1xi1>, vector<256x1xi32>
      %swap3A_116 = arith.constant 256 : index
      %swap3A_117 = arith.constant 0 : index
      %swap3A_118 = vector.load %arg3[%swap3A_116, %swap3A_117] : memref<2048x1xi32, #tpu.memory_space<vmem>>, vector<256x1xi32>
      tpu.vector_store %arg3[%swap3A_116, %swap3A_117], %select_n3A_115 {strides = array<i32>} : memref<2048x1xi32, #tpu.memory_space<vmem>>, vector<256x1xi32>,
      %get3A_119 = arith.constant 512 : index
      %get3A_120 = arith.constant 0 : index
      %get3A_121 = vector.load %arg9[%get3A_119, %get3A_120] : memref<2048x4xf32, #tpu.memory_space<vmem>>, vector<256x1xf32>
      %convert_element_type3A_122 = arith.fptosi %get3A_121 : vector<256x1xf32> to vector<256x1xi32>
      %get3A_123 = arith.constant 512 : index
      %get3A_124 = arith.constant 1 : index
      %get3A_125 = vector.load %arg9[%get3A_123, %get3A_124] : memref<2048x4xf32, #tpu.memory_space<vmem>>, vector<256x1xf32>
      %get3A_126 = arith.constant 512 : index
      %get3A_127 = arith.constant 2 : index
      %get3A_128 = vector.load %arg9[%get3A_126, %get3A_127] : memref<2048x4xf32, #tpu.memory_space<vmem>>, vector<256x1xf32>
      %gt3A_129 = arith.constant 0.000000e+00 : f32
      %gt3A_130 = vector.broadcast %gt3A_129 : f32 to vector<256x1xf32>
      %gt3A_131 = arith.cmpf ogt, %get3A_128, %gt3A_130 : vector<256x1xf32>
      %eq3A_132 = vector.broadcast %convert_element_type3A_122 : vector<256x1xi32> to vector<256x16xi32>
      %eq3A_133 = arith.cmpi eq, %iota3A_0, %eq3A_132 : vector<256x16xi32>
      %jit3A_134 = arith.constant 0 : i32
      %broadcast_in_dim3A_135 = vector.shape_cast %convert_element_type3A_57 : vector<1x16xi32> to vector<1x16xi32>
      %broadcast_in_dim3A_136 = vector.broadcast %broadcast_in_dim3A_135 : vector<1x16xi32> to vector<256x16xi32>
      %broadcast_in_dim3A_137 = vector.broadcast %jit3A_134 : i32 to vector<256x16xi32>
      %select_n3A_138 = arith.select %eq3A_133, %broadcast_in_dim3A_136, %broadcast_in_dim3A_137 : vector<256x16xi1>, vector<256x16xi32>
      %reduce_sum3A_139 = arith.constant dense<0> : vector<256xi32>
      %reduce_sum3A_140 = vector.multi_reduction <add>, %select_n3A_138, %reduce_sum3A_139 [1] : vector<256x16xi32> to vector<256xi32>
      %broadcast_in_dim3A_141 = vector.shape_cast %reduce_sum3A_140 : vector<256xi32> to vector<256x1xi32>
      %convert_element_type3A_142 = arith.fptosi %get3A_125 : vector<256x1xf32> to vector<256x1xi32>
      %add3A_143 = arith.addi %broadcast_in_dim3A_141, %convert_element_type3A_142 : vector<256x1xi32>
      %jit3A_144 = arith.constant 6143 : i32
      %broadcast_in_dim3A_145 = vector.broadcast %jit3A_144 : i32 to vector<256x1xi32>
      %select_n3A_146 = arith.select %gt3A_131, %add3A_143, %broadcast_in_dim3A_145 : vector<256x1xi1>, vector<256x1xi32>
      %swap3A_147 = arith.constant 512 : index
      %swap3A_148 = arith.constant 0 : index
      %swap3A_149 = vector.load %arg3[%swap3A_147, %swap3A_148] : memref<2048x1xi32, #tpu.memory_space<vmem>>, vector<256x1xi32>
      tpu.vector_store %arg3[%swap3A_147, %swap3A_148], %select_n3A_146 {strides = array<i32>} : memref<2048x1xi32, #tpu.memory_space<vmem>>, vector<256x1xi32>,
      %get3A_150 = arith.constant 768 : index
      %get3A_151 = arith.constant 0 : index
      %get3A_152 = vector.load %arg9[%get3A_150, %get3A_151] : memref<2048x4xf32, #tpu.memory_space<vmem>>, vector<256x1xf32>
      %convert_element_type3A_153 = arith.fptosi %get3A_152 : vector<256x1xf32> to vector<256x1xi32>
      %get3A_154 = arith.constant 768 : index
      %get3A_155 = arith.constant 1 : index
      %get3A_156 = vector.load %arg9[%get3A_154, %get3A_155] : memref<2048x4xf32, #tpu.memory_space<vmem>>, vector<256x1xf32>
      %get3A_157 = arith.constant 768 : index
      %get3A_158 = arith.constant 2 : index
      %get3A_159 = vector.load %arg9[%get3A_157, %get3A_158] : memref<2048x4xf32, #tpu.memory_space<vmem>>, vector<256x1xf32>
      %gt3A_160 = arith.constant 0.000000e+00 : f32
      %gt3A_161 = vector.broadcast %gt3A_160 : f32 to vector<256x1xf32>
      %gt3A_162 = arith.cmpf ogt, %get3A_159, %gt3A_161 : vector<256x1xf32>
      %eq3A_163 = vector.broadcast %convert_element_type3A_153 : vector<256x1xi32> to vector<256x16xi32>
      %eq3A_164 = arith.cmpi eq, %iota3A_0, %eq3A_163 : vector<256x16xi32>
      %jit3A_165 = arith.constant 0 : i32
      %broadcast_in_dim3A_166 = vector.shape_cast %convert_element_type3A_57 : vector<1x16xi32> to vector<1x16xi32>
      %broadcast_in_dim3A_167 = vector.broadcast %broadcast_in_dim3A_166 : vector<1x16xi32> to vector<256x16xi32>
      %broadcast_in_dim3A_168 = vector.broadcast %jit3A_165 : i32 to vector<256x16xi32>
      %select_n3A_169 = arith.select %eq3A_164, %broadcast_in_dim3A_167, %broadcast_in_dim3A_168 : vector<256x16xi1>, vector<256x16xi32>
      %reduce_sum3A_170 = arith.constant dense<0> : vector<256xi32>
      %reduce_sum3A_171 = vector.multi_reduction <add>, %select_n3A_169, %reduce_sum3A_170 [1] : vector<256x16xi32> to vector<256xi32>
      %broadcast_in_dim3A_172 = vector.shape_cast %reduce_sum3A_171 : vector<256xi32> to vector<256x1xi32>
      %convert_element_type3A_173 = arith.fptosi %get3A_156 : vector<256x1xf32> to vector<256x1xi32>
      %add3A_174 = arith.addi %broadcast_in_dim3A_172, %convert_element_type3A_173 : vector<256x1xi32>
      %jit3A_175 = arith.constant 6143 : i32
      %broadcast_in_dim3A_176 = vector.broadcast %jit3A_175 : i32 to vector<256x1xi32>
      %select_n3A_177 = arith.select %gt3A_162, %add3A_174, %broadcast_in_dim3A_176 : vector<256x1xi1>, vector<256x1xi32>
      %swap3A_178 = arith.constant 768 : index
      %swap3A_179 = arith.constant 0 : index
      %swap3A_180 = vector.load %arg3[%swap3A_178, %swap3A_179] : memref<2048x1xi32, #tpu.memory_space<vmem>>, vector<256x1xi32>
      tpu.vector_store %arg3[%swap3A_178, %swap3A_179], %select_n3A_177 {strides = array<i32>} : memref<2048x1xi32, #tpu.memory_space<vmem>>, vector<256x1xi32>,
      %get3A_181 = arith.constant 1024 : index
      %get3A_182 = arith.constant 0 : index
      %get3A_183 = vector.load %arg9[%get3A_181, %get3A_182] : memref<2048x4xf32, #tpu.memory_space<vmem>>, vector<256x1xf32>
      %convert_element_type3A_184 = arith.fptosi %get3A_183 : vector<256x1xf32> to vector<256x1xi32>
      %get3A_185 = arith.constant 1024 : index
      %get3A_186 = arith.constant 1 : index
      %get3A_187 = vector.load %arg9[%get3A_185, %get3A_186] : memref<2048x4xf32, #tpu.memory_space<vmem>>, vector<256x1xf32>
      %get3A_188 = arith.constant 1024 : index
      %get3A_189 = arith.constant 2 : index
      %get3A_190 = vector.load %arg9[%get3A_188, %get3A_189] : memref<2048x4xf32, #tpu.memory_space<vmem>>, vector<256x1xf32>
      %gt3A_191 = arith.constant 0.000000e+00 : f32
      %gt3A_192 = vector.broadcast %gt3A_191 : f32 to vector<256x1xf32>
      %gt3A_193 = arith.cmpf ogt, %get3A_190, %gt3A_192 : vector<256x1xf32>
      %eq3A_194 = vector.broadcast %convert_element_type3A_184 : vector<256x1xi32> to vector<256x16xi32>
      %eq3A_195 = arith.cmpi eq, %iota3A_0, %eq3A_194 : vector<256x16xi32>
      %jit3A_196 = arith.constant 0 : i32
      %broadcast_in_dim3A_197 = vector.shape_cast %convert_element_type3A_57 : vector<1x16xi32> to vector<1x16xi32>
      %broadcast_in_dim3A_198 = vector.broadcast %broadcast_in_dim3A_197 : vector<1x16xi32> to vector<256x16xi32>
      %broadcast_in_dim3A_199 = vector.broadcast %jit3A_196 : i32 to vector<256x16xi32>
      %select_n3A_200 = arith.select %eq3A_195, %broadcast_in_dim3A_198, %broadcast_in_dim3A_199 : vector<256x16xi1>, vector<256x16xi32>
      %reduce_sum3A_201 = arith.constant dense<0> : vector<256xi32>
      %reduce_sum3A_202 = vector.multi_reduction <add>, %select_n3A_200, %reduce_sum3A_201 [1] : vector<256x16xi32> to vector<256xi32>
      %broadcast_in_dim3A_203 = vector.shape_cast %reduce_sum3A_202 : vector<256xi32> to vector<256x1xi32>
      %convert_element_type3A_204 = arith.fptosi %get3A_187 : vector<256x1xf32> to vector<256x1xi32>
      %add3A_205 = arith.addi %broadcast_in_dim3A_203, %convert_element_type3A_204 : vector<256x1xi32>
      %jit3A_206 = arith.constant 6143 : i32
      %broadcast_in_dim3A_207 = vector.broadcast %jit3A_206 : i32 to vector<256x1xi32>
      %select_n3A_208 = arith.select %gt3A_193, %add3A_205, %broadcast_in_dim3A_207 : vector<256x1xi1>, vector<256x1xi32>
      %swap3A_209 = arith.constant 1024 : index
      %swap3A_210 = arith.constant 0 : index
      %swap3A_211 = vector.load %arg3[%swap3A_209, %swap3A_210] : memref<2048x1xi32, #tpu.memory_space<vmem>>, vector<256x1xi32>
      tpu.vector_store %arg3[%swap3A_209, %swap3A_210], %select_n3A_208 {strides = array<i32>} : memref<2048x1xi32, #tpu.memory_space<vmem>>, vector<256x1xi32>,
      %get3A_212 = arith.constant 1280 : index
      %get3A_213 = arith.constant 0 : index
      %get3A_214 = vector.load %arg9[%get3A_212, %get3A_213] : memref<2048x4xf32, #tpu.memory_space<vmem>>, vector<256x1xf32>
      %convert_element_type3A_215 = arith.fptosi %get3A_214 : vector<256x1xf32> to vector<256x1xi32>
      %get3A_216 = arith.constant 1280 : index
      %get3A_217 = arith.constant 1 : index
      %get3A_218 = vector.load %arg9[%get3A_216, %get3A_217] : memref<2048x4xf32, #tpu.memory_space<vmem>>, vector<256x1xf32>
      %get3A_219 = arith.constant 1280 : index
      %get3A_220 = arith.constant 2 : index
      %get3A_221 = vector.load %arg9[%get3A_219, %get3A_220] : memref<2048x4xf32, #tpu.memory_space<vmem>>, vector<256x1xf32>
      %gt3A_222 = arith.constant 0.000000e+00 : f32
      %gt3A_223 = vector.broadcast %gt3A_222 : f32 to vector<256x1xf32>
      %gt3A_224 = arith.cmpf ogt, %get3A_221, %gt3A_223 : vector<256x1xf32>
      %eq3A_225 = vector.broadcast %convert_element_type3A_215 : vector<256x1xi32> to vector<256x16xi32>
      %eq3A_226 = arith.cmpi eq, %iota3A_0, %eq3A_225 : vector<256x16xi32>
      %jit3A_227 = arith.constant 0 : i32
      %broadcast_in_dim3A_228 = vector.shape_cast %convert_element_type3A_57 : vector<1x16xi32> to vector<1x16xi32>
      %broadcast_in_dim3A_229 = vector.broadcast %broadcast_in_dim3A_228 : vector<1x16xi32> to vector<256x16xi32>
      %broadcast_in_dim3A_230 = vector.broadcast %jit3A_227 : i32 to vector<256x16xi32>
      %select_n3A_231 = arith.select %eq3A_226, %broadcast_in_dim3A_229, %broadcast_in_dim3A_230 : vector<256x16xi1>, vector<256x16xi32>
      %reduce_sum3A_232 = arith.constant dense<0> : vector<256xi32>
      %reduce_sum3A_233 = vector.multi_reduction <add>, %select_n3A_231, %reduce_sum3A_232 [1] : vector<256x16xi32> to vector<256xi32>
      %broadcast_in_dim3A_234 = vector.shape_cast %reduce_sum3A_233 : vector<256xi32> to vector<256x1xi32>
      %convert_element_type3A_235 = arith.fptosi %get3A_218 : vector<256x1xf32> to vector<256x1xi32>
      %add3A_236 = arith.addi %broadcast_in_dim3A_234, %convert_element_type3A_235 : vector<256x1xi32>
      %jit3A_237 = arith.constant 6143 : i32
      %broadcast_in_dim3A_238 = vector.broadcast %jit3A_237 : i32 to vector<256x1xi32>
      %select_n3A_239 = arith.select %gt3A_224, %add3A_236, %broadcast_in_dim3A_238 : vector<256x1xi1>, vector<256x1xi32>
      %swap3A_240 = arith.constant 1280 : index
      %swap3A_241 = arith.constant 0 : index
      %swap3A_242 = vector.load %arg3[%swap3A_240, %swap3A_241] : memref<2048x1xi32, #tpu.memory_space<vmem>>, vector<256x1xi32>
      tpu.vector_store %arg3[%swap3A_240, %swap3A_241], %select_n3A_239 {strides = array<i32>} : memref<2048x1xi32, #tpu.memory_space<vmem>>, vector<256x1xi32>,
      %get3A_243 = arith.constant 1536 : index
      %get3A_244 = arith.constant 0 : index
      %get3A_245 = vector.load %arg9[%get3A_243, %get3A_244] : memref<2048x4xf32, #tpu.memory_space<vmem>>, vector<256x1xf32>
      %convert_element_type3A_246 = arith.fptosi %get3A_245 : vector<256x1xf32> to vector<256x1xi32>
      %get3A_247 = arith.constant 1536 : index
      %get3A_248 = arith.constant 1 : index
      %get3A_249 = vector.load %arg9[%get3A_247, %get3A_248] : memref<2048x4xf32, #tpu.memory_space<vmem>>, vector<256x1xf32>
      %get3A_250 = arith.constant 1536 : index
      %get3A_251 = arith.constant 2 : index
      %get3A_252 = vector.load %arg9[%get3A_250, %get3A_251] : memref<2048x4xf32, #tpu.memory_space<vmem>>, vector<256x1xf32>
      %gt3A_253 = arith.constant 0.000000e+00 : f32
      %gt3A_254 = vector.broadcast %gt3A_253 : f32 to vector<256x1xf32>
      %gt3A_255 = arith.cmpf ogt, %get3A_252, %gt3A_254 : vector<256x1xf32>
      %eq3A_256 = vector.broadcast %convert_element_type3A_246 : vector<256x1xi32> to vector<256x16xi32>
      %eq3A_257 = arith.cmpi eq, %iota3A_0, %eq3A_256 : vector<256x16xi32>
      %jit3A_258 = arith.constant 0 : i32
      %broadcast_in_dim3A_259 = vector.shape_cast %convert_element_type3A_57 : vector<1x16xi32> to vector<1x16xi32>
      %broadcast_in_dim3A_260 = vector.broadcast %broadcast_in_dim3A_259 : vector<1x16xi32> to vector<256x16xi32>
      %broadcast_in_dim3A_261 = vector.broadcast %jit3A_258 : i32 to vector<256x16xi32>
      %select_n3A_262 = arith.select %eq3A_257, %broadcast_in_dim3A_260, %broadcast_in_dim3A_261 : vector<256x16xi1>, vector<256x16xi32>
      %reduce_sum3A_263 = arith.constant dense<0> : vector<256xi32>
      %reduce_sum3A_264 = vector.multi_reduction <add>, %select_n3A_262, %reduce_sum3A_263 [1] : vector<256x16xi32> to vector<256xi32>
      %broadcast_in_dim3A_265 = vector.shape_cast %reduce_sum3A_264 : vector<256xi32> to vector<256x1xi32>
      %convert_element_type3A_266 = arith.fptosi %get3A_249 : vector<256x1xf32> to vector<256x1xi32>
      %add3A_267 = arith.addi %broadcast_in_dim3A_265, %convert_element_type3A_266 : vector<256x1xi32>
      %jit3A_268 = arith.constant 6143 : i32
      %broadcast_in_dim3A_269 = vector.broadcast %jit3A_268 : i32 to vector<256x1xi32>
      %select_n3A_270 = arith.select %gt3A_255, %add3A_267, %broadcast_in_dim3A_269 : vector<256x1xi1>, vector<256x1xi32>
      %swap3A_271 = arith.constant 1536 : index
      %swap3A_272 = arith.constant 0 : index
      %swap3A_273 = vector.load %arg3[%swap3A_271, %swap3A_272] : memref<2048x1xi32, #tpu.memory_space<vmem>>, vector<256x1xi32>
      tpu.vector_store %arg3[%swap3A_271, %swap3A_272], %select_n3A_270 {strides = array<i32>} : memref<2048x1xi32, #tpu.memory_space<vmem>>, vector<256x1xi32>,
      %get3A_274 = arith.constant 1792 : index
      %get3A_275 = arith.constant 0 : index
      %get3A_276 = vector.load %arg9[%get3A_274, %get3A_275] : memref<2048x4xf32, #tpu.memory_space<vmem>>, vector<256x1xf32>
      %convert_element_type3A_277 = arith.fptosi %get3A_276 : vector<256x1xf32> to vector<256x1xi32>
      %get3A_278 = arith.constant 1792 : index
      %get3A_279 = arith.constant 1 : index
      %get3A_280 = vector.load %arg9[%get3A_278, %get3A_279] : memref<2048x4xf32, #tpu.memory_space<vmem>>, vector<256x1xf32>
      %get3A_281 = arith.constant 1792 : index
      %get3A_282 = arith.constant 2 : index
      %get3A_283 = vector.load %arg9[%get3A_281, %get3A_282] : memref<2048x4xf32, #tpu.memory_space<vmem>>, vector<256x1xf32>
      %gt3A_284 = arith.constant 0.000000e+00 : f32
      %gt3A_285 = vector.broadcast %gt3A_284 : f32 to vector<256x1xf32>
      %gt3A_286 = arith.cmpf ogt, %get3A_283, %gt3A_285 : vector<256x1xf32>
      %eq3A_287 = vector.broadcast %convert_element_type3A_277 : vector<256x1xi32> to vector<256x16xi32>
      %eq3A_288 = arith.cmpi eq, %iota3A_0, %eq3A_287 : vector<256x16xi32>
      %jit3A_289 = arith.constant 0 : i32
      %broadcast_in_dim3A_290 = vector.shape_cast %convert_element_type3A_57 : vector<1x16xi32> to vector<1x16xi32>
      %broadcast_in_dim3A_291 = vector.broadcast %broadcast_in_dim3A_290 : vector<1x16xi32> to vector<256x16xi32>
      %broadcast_in_dim3A_292 = vector.broadcast %jit3A_289 : i32 to vector<256x16xi32>
      %select_n3A_293 = arith.select %eq3A_288, %broadcast_in_dim3A_291, %broadcast_in_dim3A_292 : vector<256x16xi1>, vector<256x16xi32>
      %reduce_sum3A_294 = arith.constant dense<0> : vector<256xi32>
      %reduce_sum3A_295 = vector.multi_reduction <add>, %select_n3A_293, %reduce_sum3A_294 [1] : vector<256x16xi32> to vector<256xi32>
      %broadcast_in_dim3A_296 = vector.shape_cast %reduce_sum3A_295 : vector<256xi32> to vector<256x1xi32>
      %convert_element_type3A_297 = arith.fptosi %get3A_280 : vector<256x1xf32> to vector<256x1xi32>
      %add3A_298 = arith.addi %broadcast_in_dim3A_296, %convert_element_type3A_297 : vector<256x1xi32>
      %jit3A_299 = arith.constant 6143 : i32
      %broadcast_in_dim3A_300 = vector.broadcast %jit3A_299 : i32 to vector<256x1xi32>
      %select_n3A_301 = arith.select %gt3A_286, %add3A_298, %broadcast_in_dim3A_300 : vector<256x1xi1>, vector<256x1xi32>
      %swap3A_302 = arith.constant 1792 : index
      %swap3A_303 = arith.constant 0 : index
      %swap3A_304 = vector.load %arg3[%swap3A_302, %swap3A_303] : memref<2048x1xi32, #tpu.memory_space<vmem>>, vector<256x1xi32>
      tpu.vector_store %arg3[%swap3A_302, %swap3A_303], %select_n3A_301 {strides = array<i32>} : memref<2048x1xi32, #tpu.memory_space<vmem>>, vector<256x1xi32>,
    } else {
    }
    return
  }
  func.func @transform_0(%arg0: i32) -> (i32, i32) {
    %min3A = arith.constant 7 : i32
    %min3A_0 = arith.minsi %arg0, %min3A : i32
    %c0_i32 = arith.constant 0 : i32
    %c0_i32_1 = arith.constant 0 : i32
    return %min3A_0, %c0_i32 : i32, i32
  }
  func.func @transform_1(%arg0: i32) -> (i32, i32) {
    %c0_i32 = arith.constant 0 : i32
    %c0_i32_0 = arith.constant 0 : i32
    %c0_i32_1 = arith.constant 0 : i32
    return %c0_i32, %c0_i32_0 : i32, i32
  }
  func.func @transform_2(%arg0: i32) -> (i32, i32) {
    %c0_i32 = arith.constant 0 : i32
    %c0_i32_0 = arith.constant 0 : i32
    %c0_i32_1 = arith.constant 0 : i32
    return %c0_i32, %c0_i32_0 : i32, i32
  }
  func.func @transform_3(%arg0: i32) -> (i32, i32) {
    %min3A = arith.constant 7 : i32
    %min3A_0 = arith.minsi %arg0, %min3A : i32
    %c0_i32 = arith.constant 0 : i32
    %c0_i32_1 = arith.constant 0 : i32
    return %min3A_0, %c0_i32 : i32, i32
  }
  func.func @transform_4(%arg0: i32) -> (i32, i32) {
    %c0_i32 = arith.constant 0 : i32
    %c0_i32_0 = arith.constant 0 : i32
    %c0_i32_1 = arith.constant 0 : i32
    return %c0_i32, %c0_i32_0 : i32, i32
  }
  func.func @transform_5(%arg0: i32) -> (i32, i32) {
    %c0_i32 = arith.constant 0 : i32
    %c0_i32_0 = arith.constant 0 : i32
    %c0_i32_1 = arith.constant 0 : i32
    return %c0_i32, %c0_i32_0 : i32, i32
  }
  func.func @transform_6(%arg0: i32) -> (i32, i32) {
    %c0_i32 = arith.constant 0 : i32
    %c0_i32_0 = arith.constant 0 : i32
    %c0_i32_1 = arith.constant 0 : i32
    return %c0_i32, %c0_i32_0 : i32, i32
  }
}

module attributes {stable_mosaic.version = 14 : i64} {
  func.func @_dense_body(%arg0: i32, %arg1: memref<256x1024xf32, #tpu.memory_space<vmem>>, %arg2: memref<256x128xf32, #tpu.memory_space<vmem>>, %arg3: memref<1024x1024xf32, #tpu.memory_space<vmem>>, %arg4: memref<1x1024xf32, #tpu.memory_space<vmem>>, %arg5: memref<256x1024xf32, #tpu.memory_space<vmem>>) attributes {dimension_semantics = [#tpu.dimension_semantics<arbitrary>], iteration_bounds = array<i64: 8>, scalar_prefetch = 0 : i64, scratch_operands = 0 : i64, tpu.core_type = #tpu.core_type<tc>, window_params = [{transform_indices = @transform_0, window_bounds = array<i64: 256, 1024>}, {transform_indices = @transform_1, window_bounds = array<i64: 256, 128>}, {pipeline_mode = #tpu.pipeline_mode<synchronous>, transform_indices = @transform_2, window_bounds = array<i64: 1024, 1024>}, {pipeline_mode = #tpu.pipeline_mode<synchronous>, transform_indices = @transform_3, window_bounds = array<i64: 1, 1024>}, {transform_indices = @transform_4, window_bounds = array<i64: 256, 1024>}]} {
    %get3A = arith.constant 0 : index
    %get3A_0 = arith.constant 0 : index
    %get3A_1 = vector.load %arg2[%get3A, %get3A_0] : memref<256x128xf32, #tpu.memory_space<vmem>>, vector<256x1xf32>
    %gt3A = arith.constant 0.000000e+00 : f32
    %gt3A_2 = vector.broadcast %gt3A : f32 to vector<256x1xf32>
    %gt3A_3 = arith.cmpf ogt, %get3A_1, %gt3A_2 : vector<256x1xf32>
    %get3A_4 = arith.constant 0 : index
    %get3A_5 = arith.constant 0 : index
    %get3A_6 = vector.load %arg1[%get3A_4, %get3A_5] : memref<256x1024xf32, #tpu.memory_space<vmem>>, vector<256x1024xf32>
    %jit3A = arith.constant 0.000000e+00 : f32
    %broadcast_in_dim3A = vector.shape_cast %gt3A_3 : vector<256x1xi1> to vector<256x1xi1>
    %broadcast_in_dim3A_7 = vector.broadcast %broadcast_in_dim3A : vector<256x1xi1> to vector<256x1024xi1>
    %broadcast_in_dim3A_8 = vector.broadcast %jit3A : f32 to vector<256x1024xf32>
    %select_n3A = arith.select %broadcast_in_dim3A_7, %get3A_6, %broadcast_in_dim3A_8 : vector<256x1024xi1>, vector<256x1024xf32>
    %mul3A = vector.broadcast %get3A_1 : vector<256x1xf32> to vector<256x1024xf32>
    %mul3A_9 = arith.mulf %select_n3A, %mul3A : vector<256x1024xf32>
    %get3A_10 = arith.constant 0 : index
    %get3A_11 = arith.constant 0 : index
    %get3A_12 = vector.load %arg3[%get3A_10, %get3A_11] : memref<1024x1024xf32, #tpu.memory_space<vmem>>, vector<1024x1024xf32>
    %dot_general3A = arith.constant dense<0.000000e+00> : vector<256x1024xf32>
    %dot_general3A_13 = tpu.matmul %mul3A_9, %get3A_12, %dot_general3A {dimension_numbers = #tpu.dot_dimension_numbers<[1], [0], [0], [1], [0, 0, 1, 1], [], []>, transpose_lhs_hint = false} : vector<256x1024xf32>, vector<1024x1024xf32>, vector<256x1024xf32> -> vector<256x1024xf32>
    %get3A_14 = arith.constant 0 : index
    %get3A_15 = arith.constant 0 : index
    %get3A_16 = vector.load %arg4[%get3A_14, %get3A_15] : memref<1x1024xf32, #tpu.memory_space<vmem>>, vector<1x1024xf32>
    %add3A = vector.broadcast %get3A_16 : vector<1x1024xf32> to vector<256x1024xf32>
    %add3A_17 = arith.addf %dot_general3A_13, %add3A : vector<256x1024xf32>
    %swap3A = arith.constant 0 : index
    %swap3A_18 = arith.constant 0 : index
    %swap3A_19 = vector.load %arg5[%swap3A, %swap3A_18] : memref<256x1024xf32, #tpu.memory_space<vmem>>, vector<256x1024xf32>
    tpu.vector_store %arg5[%swap3A, %swap3A_18], %add3A_17 {strides = array<i32>} : memref<256x1024xf32, #tpu.memory_space<vmem>>, vector<256x1024xf32>,
    return
  }
  func.func @transform_0(%arg0: i32) -> (i32, i32) {
    %c0_i32 = arith.constant 0 : i32
    %c0_i32_0 = arith.constant 0 : i32
    return %arg0, %c0_i32 : i32, i32
  }
  func.func @transform_1(%arg0: i32) -> (i32, i32) {
    %c0_i32 = arith.constant 0 : i32
    %c0_i32_0 = arith.constant 0 : i32
    return %arg0, %c0_i32 : i32, i32
  }
  func.func @transform_2(%arg0: i32) -> (i32, i32) {
    %c0_i32 = arith.constant 0 : i32
    %c0_i32_0 = arith.constant 0 : i32
    %c0_i32_1 = arith.constant 0 : i32
    return %c0_i32, %c0_i32_0 : i32, i32
  }
  func.func @transform_3(%arg0: i32) -> (i32, i32) {
    %c0_i32 = arith.constant 0 : i32
    %c0_i32_0 = arith.constant 0 : i32
    %c0_i32_1 = arith.constant 0 : i32
    return %c0_i32, %c0_i32_0 : i32, i32
  }
  func.func @transform_4(%arg0: i32) -> (i32, i32) {
    %c0_i32 = arith.constant 0 : i32
    %c0_i32_0 = arith.constant 0 : i32
    return %arg0, %c0_i32 : i32, i32
  }
}

module attributes {stable_mosaic.version = 14 : i64} {
  func.func @_cffn_body(%arg0: i32, %arg1: memref<64xi32, #tpu.memory_space<smem>>, %arg2: memref<256x1024xf32, #tpu.memory_space<vmem>>, %arg3: memref<1x1024x1024xf32, #tpu.memory_space<vmem>>, %arg4: memref<1x1x1024xf32, #tpu.memory_space<vmem>>, %arg5: memref<1x1024x1024xf32, #tpu.memory_space<vmem>>, %arg6: memref<1x1x1024xf32, #tpu.memory_space<vmem>>, %arg7: memref<256x1024xf32, #tpu.memory_space<vmem>>) attributes {dimension_semantics = [#tpu.dimension_semantics<arbitrary>], iteration_bounds = array<i64: 23>, scalar_prefetch = 1 : i64, scratch_operands = 0 : i64, tpu.core_type = #tpu.core_type<tc>, window_params = [{transform_indices = @transform_0, window_bounds = array<i64: 256, 1024>}, {transform_indices = @transform_1, window_bounds = array<i64: 1, 1024, 1024>}, {transform_indices = @transform_2, window_bounds = array<i64: 1, 1, 1024>}, {transform_indices = @transform_3, window_bounds = array<i64: 1, 1024, 1024>}, {transform_indices = @transform_4, window_bounds = array<i64: 1, 1, 1024>}, {transform_indices = @transform_5, window_bounds = array<i64: 256, 1024>}]} {
    %get3A = arith.index_cast %arg0 : i32 to index
    %get3A_0 = memref.load %arg1[%get3A] : memref<64xi32, #tpu.memory_space<smem>>
    %lt3A = arith.constant 16 : i32
    %lt3A_1 = arith.cmpi slt, %get3A_0, %lt3A : i32
    %convert_element_type3A = arith.extui %lt3A_1 : i1 to i32
    %cond3A = arith.constant 0 : i32
    %cond3A_2 = arith.cmpi ne, %convert_element_type3A, %cond3A : i32
    scf.if %cond3A_2 {
      %get3A_3 = arith.constant 0 : index
      %get3A_4 = arith.constant 0 : index
      %get3A_5 = vector.load %arg2[%get3A_3, %get3A_4] : memref<256x1024xf32, #tpu.memory_space<vmem>>, vector<256x1024xf32>
      %get3A_6 = arith.constant 0 : index
      %get3A_7 = arith.constant 0 : index
      %get3A_8 = arith.constant 0 : index
      %get3A_9 = vector.load %arg3[%get3A_6, %get3A_7, %get3A_8] : memref<1x1024x1024xf32, #tpu.memory_space<vmem>>, vector<1x1024x1024xf32>
      %get3A_10 = vector.shape_cast %get3A_9 : vector<1x1024x1024xf32> to vector<1024x1024xf32>
      %dot_general3A = arith.constant dense<0.000000e+00> : vector<256x1024xf32>
      %dot_general3A_11 = tpu.matmul %get3A_5, %get3A_10, %dot_general3A {dimension_numbers = #tpu.dot_dimension_numbers<[1], [0], [0], [1], [0, 0, 1, 1], [], []>, transpose_lhs_hint = false} : vector<256x1024xf32>, vector<1024x1024xf32>, vector<256x1024xf32> -> vector<256x1024xf32>
      %get3A_12 = arith.constant 0 : index
      %get3A_13 = arith.constant 0 : index
      %get3A_14 = arith.constant 0 : index
      %get3A_15 = vector.load %arg4[%get3A_12, %get3A_13, %get3A_14] : memref<1x1x1024xf32, #tpu.memory_space<vmem>>, vector<1x1x1024xf32>
      %get3A_16 = vector.shape_cast %get3A_15 : vector<1x1x1024xf32> to vector<1x1024xf32>
      %add3A = vector.broadcast %get3A_16 : vector<1x1024xf32> to vector<256x1024xf32>
      %add3A_17 = arith.addf %dot_general3A_11, %add3A : vector<256x1024xf32>
      %integer_pow3A = arith.mulf %add3A_17, %add3A_17 : vector<256x1024xf32>
      %integer_pow3A_18 = arith.mulf %add3A_17, %integer_pow3A : vector<256x1024xf32>
      %mul3A = arith.constant 4.471500e-02 : f32
      %mul3A_19 = vector.broadcast %mul3A : f32 to vector<256x1024xf32>
      %mul3A_20 = arith.mulf %mul3A_19, %integer_pow3A_18 : vector<256x1024xf32>
      %add3A_21 = arith.addf %add3A_17, %mul3A_20 : vector<256x1024xf32>
      %mul3A_22 = arith.constant 0.797884583 : f32
      %mul3A_23 = vector.broadcast %mul3A_22 : f32 to vector<256x1024xf32>
      %mul3A_24 = arith.mulf %mul3A_23, %add3A_21 : vector<256x1024xf32>
      %tanh3A = math.tanh %mul3A_24 : vector<256x1024xf32>
      %add3A_25 = arith.constant 1.000000e+00 : f32
      %add3A_26 = vector.broadcast %add3A_25 : f32 to vector<256x1024xf32>
      %add3A_27 = arith.addf %add3A_26, %tanh3A : vector<256x1024xf32>
      %mul3A_28 = arith.constant 5.000000e-01 : f32
      %mul3A_29 = vector.broadcast %mul3A_28 : f32 to vector<256x1024xf32>
      %mul3A_30 = arith.mulf %mul3A_29, %add3A_27 : vector<256x1024xf32>
      %mul3A_31 = arith.mulf %add3A_17, %mul3A_30 : vector<256x1024xf32>
      %get3A_32 = arith.constant 0 : index
      %get3A_33 = arith.constant 0 : index
      %get3A_34 = arith.constant 0 : index
      %get3A_35 = vector.load %arg5[%get3A_32, %get3A_33, %get3A_34] : memref<1x1024x1024xf32, #tpu.memory_space<vmem>>, vector<1x1024x1024xf32>
      %get3A_36 = vector.shape_cast %get3A_35 : vector<1x1024x1024xf32> to vector<1024x1024xf32>
      %dot_general3A_37 = arith.constant dense<0.000000e+00> : vector<256x1024xf32>
      %dot_general3A_38 = tpu.matmul %mul3A_31, %get3A_36, %dot_general3A_37 {dimension_numbers = #tpu.dot_dimension_numbers<[1], [0], [0], [1], [0, 0, 1, 1], [], []>, transpose_lhs_hint = false} : vector<256x1024xf32>, vector<1024x1024xf32>, vector<256x1024xf32> -> vector<256x1024xf32>
      %get3A_39 = arith.constant 0 : index
      %get3A_40 = arith.constant 0 : index
      %get3A_41 = arith.constant 0 : index
      %get3A_42 = vector.load %arg6[%get3A_39, %get3A_40, %get3A_41] : memref<1x1x1024xf32, #tpu.memory_space<vmem>>, vector<1x1x1024xf32>
      %get3A_43 = vector.shape_cast %get3A_42 : vector<1x1x1024xf32> to vector<1x1024xf32>
      %add3A_44 = vector.broadcast %get3A_43 : vector<1x1024xf32> to vector<256x1024xf32>
      %add3A_45 = arith.addf %dot_general3A_38, %add3A_44 : vector<256x1024xf32>
      %swap3A = arith.constant 0 : index
      %swap3A_46 = arith.constant 0 : index
      %swap3A_47 = vector.load %arg7[%swap3A, %swap3A_46] : memref<256x1024xf32, #tpu.memory_space<vmem>>, vector<256x1024xf32>
      tpu.vector_store %arg7[%swap3A, %swap3A_46], %add3A_45 {strides = array<i32>} : memref<256x1024xf32, #tpu.memory_space<vmem>>, vector<256x1024xf32>,
    } else {
    }
    return
  }
  func.func @transform_0(%arg0: i32, %arg1: memref<64xi32, #tpu.memory_space<smem>>) -> (i32, i32) {
    %c0_i32 = arith.constant 0 : i32
    %c0_i32_0 = arith.constant 0 : i32
    return %arg0, %c0_i32 : i32, i32
  }
  func.func @transform_1(%arg0: i32, %arg1: memref<64xi32, #tpu.memory_space<smem>>) -> (i32, i32, i32) {
    %get3A = arith.index_cast %arg0 : i32 to index
    %get3A_0 = memref.load %arg1[%get3A] : memref<64xi32, #tpu.memory_space<smem>>
    %min3A = arith.constant 15 : i32
    %min3A_1 = arith.minsi %get3A_0, %min3A : i32
    %c0_i32 = arith.constant 0 : i32
    %c0_i32_2 = arith.constant 0 : i32
    %c0_i32_3 = arith.constant 0 : i32
    return %min3A_1, %c0_i32, %c0_i32_2 : i32, i32, i32
  }
  func.func @transform_2(%arg0: i32, %arg1: memref<64xi32, #tpu.memory_space<smem>>) -> (i32, i32, i32) {
    %get3A = arith.index_cast %arg0 : i32 to index
    %get3A_0 = memref.load %arg1[%get3A] : memref<64xi32, #tpu.memory_space<smem>>
    %min3A = arith.constant 15 : i32
    %min3A_1 = arith.minsi %get3A_0, %min3A : i32
    %c0_i32 = arith.constant 0 : i32
    %c0_i32_2 = arith.constant 0 : i32
    %c0_i32_3 = arith.constant 0 : i32
    return %min3A_1, %c0_i32, %c0_i32_2 : i32, i32, i32
  }
  func.func @transform_3(%arg0: i32, %arg1: memref<64xi32, #tpu.memory_space<smem>>) -> (i32, i32, i32) {
    %get3A = arith.index_cast %arg0 : i32 to index
    %get3A_0 = memref.load %arg1[%get3A] : memref<64xi32, #tpu.memory_space<smem>>
    %min3A = arith.constant 15 : i32
    %min3A_1 = arith.minsi %get3A_0, %min3A : i32
    %c0_i32 = arith.constant 0 : i32
    %c0_i32_2 = arith.constant 0 : i32
    %c0_i32_3 = arith.constant 0 : i32
    return %min3A_1, %c0_i32, %c0_i32_2 : i32, i32, i32
  }
  func.func @transform_4(%arg0: i32, %arg1: memref<64xi32, #tpu.memory_space<smem>>) -> (i32, i32, i32) {
    %get3A = arith.index_cast %arg0 : i32 to index
    %get3A_0 = memref.load %arg1[%get3A] : memref<64xi32, #tpu.memory_space<smem>>
    %min3A = arith.constant 15 : i32
    %min3A_1 = arith.minsi %get3A_0, %min3A : i32
    %c0_i32 = arith.constant 0 : i32
    %c0_i32_2 = arith.constant 0 : i32
    %c0_i32_3 = arith.constant 0 : i32
    return %min3A_1, %c0_i32, %c0_i32_2 : i32, i32, i32
  }
  func.func @transform_5(%arg0: i32, %arg1: memref<64xi32, #tpu.memory_space<smem>>) -> (i32, i32) {
    %c0_i32 = arith.constant 0 : i32
    %c0_i32_0 = arith.constant 0 : i32
    return %arg0, %c0_i32 : i32, i32
  }
}

</mosaic_0001>

<sc_bundles>
// kernel: kernel.10.cloned.1.call-start
scs
__scs_entry_jumppad:
0x0: {  	(pc) =	sbr.rel $0x88, $3  }
0x1: {  	(tag) =	ssettag $0x0;
	lr =	simm.s32 $0x1  }
0x2: {  	[smem:$0x3F98] =	sst lr;
	_ =	strace $0xD0000000  }
0x3: {  	_ = 	snop  }
0x4: {  	_ = 	snop  }
0x5: {  	_ = 	snop  }
0x6: {  	_ = 	snop  }
0x7: {  	_ = 	snop  }
__scs_overlays_trampoline_lowered:
0x8: {  	[smem:$0x3FA7] =	sst s0  }
0x9: {  	[smem:$0x3FA8] =	sst s1  }
0xa: {  	[smem:$0x3FA9] =	sst s2  }
0xb: {  	[smem:$0x3FAA] =	sst s3  }
0xc: {  	[smem:$0x3FAB] =	sst s4  }
0xd: {  	[smem:$0x3FAC] =	sst s5  }
0xe: {  	[smem:$0x3FAD] =	sst s6  }
0xf: {  	[smem:$0x3FAE] =	sst s7  }
0x10: {  	[smem:$0x3FAF] =	sst s8  }
0x11: {  	[smem:$0x3FB0] =	sst s9;
	s0 =	simm.s32 @!p0 $0x0  }
0x12: {  	s1 =	sld [smem:$0x3F96];
	s0 =	simm.s32 @p0 $0x1  }
0x13: {  	[smem:$0x3FB1] =	sst s0;
	s0 =	simm.s32 @!p1 $0x0  }
0x14: {  	s2 =	sld [smem:$0x3F95];
	s0 =	simm.s32 @p1 $0x1  }
0x15: {  	[smem:$0x3FB2] =	sst s0;
	s0 =	simm.s32 @!p2 $0x0  }
0x16: {  	s3 =	sld [smem:$0x3FDB];
	s0 =	simm.s32 @p2 $0x1  }
0x17: {  	s4 =	simm.s32 $0x1BF5;
	[smem:$0x3FB4] =	sst s0  }
0x18: {  	s0 =	sld [smem:$0x3F97];
	_ =	swait.ge [sflag:s4], $0x0  }
0x19: {  	s7 =	sld [smem:$0x3F98]  }
0x1a: {  	s8 =	sadd.s32 $0xFFFFE003, lr  }
0x1b: {  	s9 =	sadd.s32 $0xFFFFFEF7, lr;
	s5 =	simm.s32 $0xFFFFFFFF;
	p2 =	slt.u32 s8, $0xFFFFF086  }
0x1c: {  	p1 =	slt.u32 s9, $0xF7A;
	s5 =	simm.s32 @!p2 $0x0  }
0x1d: {  	s5 =	simm.s32 @p1 $0x1;
	p0 =	seq.s32 s7, s2  }
0x1e: {  	s7 =	smul.u32 @!p0 $0xF7A, s2;
	p2 =	seq.s32 @!p0 s5, $0x0  }
0x1f: {  	s9 =	smul.u32 $0xF7A, s1;
	s8 =	simm.s32 @!p0 $0x1BF5;
	p2 =	por !p2, p0  }
0x20: {  	[sflag:s8] =	ssyncset.s32 @!p0 $0xFFFFF086;
	s6 =	sadd.s32 @!p0 s3, s7;
	s7 =	simm.s32 @!p0 $0x108  }
0x21: {  	s3 =	sadd.s32 s3, s9;
	s6 =	sadd.s32 @!p0 $0x88, s6;
	s7 =	simm.s32 @p2 $0x1082  }
0x22: {  	[simem:s7], [sflag:s8] =	dma.local @!p0 [hbm:s6], $0xF7A  }
0x23: {  	s9 =	sor.u32 $0xD0000000, s2;
	s6 =	simm.s32 $0x108;
	_ =	swait.ge @!p0 [sflag:s8], $0x0  }
0x24: {  	s3 =	sadd.s32 $0x88, s3;
	s6 =	simm.s32 @!p1 $0x1082;
	[sflag:s4] =	ssyncset.s32 $0xFFFFF086  }
0x25: {  	[simem:s6], [sflag:s4] =	dma.local [hbm:s3], $0xF7A  }
0x26: {  	[smem:$0x3F98] =	sst s1;
	(tag) =	ssettag s2;
	_ =	strace s9  }
0x27: {  	s1 =	sld [smem:$0x3FA8]  }
0x28: {  	s2 =	sld [smem:$0x3FA9]  }
0x29: {  	s4 =	sld [smem:$0x3FAB]  }
0x2a: {  	p0 =	seq.s32 s5, $0x0;
	s5 =	sld [smem:$0x3FAC]  }
0x2b: {  	s6 =	sld [smem:$0x3FAD]  }
0x2c: {  	s7 =	sld [smem:$0x3FAE]  }
0x2d: {  	s3 =	simm.s32 $0x108;
	s8 =	sld [smem:$0x3FAF]  }
0x2e: {  	s3 =	simm.s32 @!p0 $0x1082;
	s9 =	sld [smem:$0x3FB0]  }
0x2f: {  	lr =	sadd.s32 s0, s3;
	s0 =	sld [smem:$0x3FA7]  }
0x30: {  	s3 =	sld [smem:$0x3FAA]  }
0x31: {  	[smem:$0x3FB3] =	sst s10  }
0x32: {  	s10 =	sld [smem:$0x3FB1];
	_ =	sdelay $0x3  }
0x33: {  	p0 =	seq.s32 s10, $0x1;
	s10 =	sld [smem:$0x3FB3];
	_ =	sdelay $0x3  }
0x34: {  	[smem:$0x3FB3] =	sst s10  }
0x35: {  	s10 =	sld [smem:$0x3FB2];
	_ =	sdelay $0x3  }
0x36: {  	p1 =	seq.s32 s10, $0x1;
	s10 =	sld [smem:$0x3FB3];
	_ =	sdelay $0x3  }
0x37: {  	[smem:$0x3FB3] =	sst s10  }
0x38: {  	s10 =	sld [smem:$0x3FB4]  }
0x39: {  	_ = 	snop;
	(pc) =	sbr.ind lr, $3  }
0x3a: {  	_ = 	snop  }
0x3b: {  	_ = 	snop  }
0x3c: {  	p2 =	seq.s32 s10, $0x1;
	s10 =	sld [smem:$0x3FB3]  }
0x3d: {  	_ =	shalt  }
0x3e: {  	_ =	shalt  }
0x3f: {  	_ =	shalt  }
0x40: {  	_ =	shalt  }
0x41: {  	_ =	shalt  }
0x42: {  	_ =	shalt  }
0x43: {  	_ =	shalt  }
0x44: {  	_ =	shalt  }
0x45: {  	_ =	shalt  }
0x46: {  	_ =	shalt  }
0x47: {  	_ =	shalt  }
0x48: {  	_ =	shalt  }
0x49: {  	_ =	shalt  }
0x4a: {  	_ =	shalt  }
0x4b: {  	_ =	shalt  }
0x4c: {  	_ =	shalt  }
0x4d: {  	_ =	shalt  }
0x4e: {  	_ =	shalt  }
0x4f: {  	_ =	shalt  }
0x50: {  	_ =	shalt  }
0x51: {  	_ =	shalt  }
0x52: {  	_ =	shalt  }
0x53: {  	_ =	shalt  }
0x54: {  	_ =	shalt  }
0x55: {  	_ =	shalt  }
0x56: {  	_ =	shalt  }
0x57: {  	_ =	shalt  }
0x58: {  	_ =	shalt  }
0x59: {  	_ =	shalt  }
0x5a: {  	_ =	shalt  }
0x5b: {  	_ =	shalt  }
0x5c: {  	_ =	shalt  }
0x5d: {  	_ =	shalt  }
0x5e: {  	_ =	shalt  }
0x5f: {  	_ =	shalt  }
0x60: {  	_ =	shalt  }
0x61: {  	_ =	shalt  }
0x62: {  	_ =	shalt  }
0x63: {  	_ =	shalt  }
0x64: {  	_ =	shalt  }
0x65: {  	_ =	shalt  }
0x66: {  	_ =	shalt  }
0x67: {  	_ =	shalt  }
0x68: {  	_ =	shalt  }
0x69: {  	_ =	shalt  }
0x6a: {  	_ =	shalt  }
0x6b: {  	_ =	shalt  }
0x6c: {  	_ =	shalt  }
0x6d: {  	_ =	shalt  }
0x6e: {  	_ =	shalt  }
0x6f: {  	_ =	shalt  }
0x70: {  	_ =	shalt  }
0x71: {  	_ =	shalt  }
0x72: {  	_ =	shalt  }
0x73: {  	_ =	shalt  }
0x74: {  	_ =	shalt  }
0x75: {  	_ =	shalt  }
0x76: {  	_ =	shalt  }
0x77: {  	_ =	shalt  }
0x78: {  	_ =	shalt  }
0x79: {  	_ =	shalt  }
0x7a: {  	_ =	shalt  }
0x7b: {  	_ =	shalt  }
0x7c: {  	_ =	shalt  }
0x7d: {  	_ =	shalt  }
0x7e: {  	_ =	shalt  }
0x7f: {  	_ =	shalt  }
0x80: {  	_ =	shalt  }
0x81: {  	_ =	shalt  }
0x82: {  	_ =	shalt  }
0x83: {  	_ =	shalt  }
0x84: {  	_ =	shalt  }
0x85: {  	_ =	shalt  }
0x86: {  	_ =	shalt  }
0x87: {  	_ =	shalt  }
.Lfunc_end0:
.L_simem_size_0:
called_computation.1_lowered:
.L_overlay_start_0:
0x88: {  	s2 =	sld [smem:$0x3FD9]  }
0x89: {  	s3 =	sld [smem:$0x3FFE];
	_ =	sdelay $0x1  }
0x8a: {  	s1 =	srdreg.scid  }
0x8b: {  	s0 =	sand.u32 $0x1, s1  }
0x8c: {  	s17 =	sshll.u32 s0, $0xA;
	s2 =	sadd.s32 s3, s2  }
0x8d: {  	s2 =	sadd.s32 s2, s17  }
0x8e: {  	[smem:$0x3FBF] =	sst s2  }
0x8f: {  	_ = 	snop  }
0x90: {  	s2 =	sld [smem:$0x3FD0];
	(tm) =	ssettm $0x1  }
0x91: {  	s18 =	sld [smem:$0x3FFB];
	_ =	sdelay $0x3  }
0x92: {  	_ =	strace s18  }
0x93: {  	s3 =	sld [smem:$0x3FFC];
	_ =	sdelay $0x3  }
0x94: {  	_ =	strace s3  }
0x95: {  	s3 =	sld [smem:$0x3FFD];
	_ =	sdelay $0x3  }
0x96: {  	_ =	strace s3  }
0x97: {  	_ =	strace $0x8FFFFFFF  }
0x98: {  	s19 =	sld [smem:$0x3FDB];
	_ =	sdelay $0x1  }
0x99: {  	s4 =	simm.s32 $_scs_section_size  }
0x9a: {  	s5 =	simm.s32 $_size__tile_overlayer_lowered;
	s6 =	simm.s32 $_tile_overlayer_lowered  }
0x9b: {  	s22 =	simm.s32 $0x1BFF;
	s21 =	sshll.u32 s6, $0x1;
	s3 =	sadd.s32 s4, s19  }
0x9c: {  	s7 =	simm.s32 $0x0;
	s20 =	sshll.u32 s5, $0x1;
	s5 =	sadd.s32 s21, s3  }
0x9d: {  	[timem:s7], [sflag:s22] =	dma.local [hbm:s5], s20  }
0x9e: {  	_ =	swait.ge [sflag:s22], s20  }
0x9f: {  	s4 =	ssub.s32 $0x0, s20;
	[sflag:s22] =	ssyncset.done $0x0  }
0xa0: {  	[sflag:s22] =	ssyncadd.s32 s4;
	_ =	sdelay $0x1  }
0xa1: {  	s23 =	simm.s32 $0x1B8B  }
0xa2: {  	_ =	swait.ge [sflag:s23], $0x1  }
0xa3: {  	[sflag:s23] =	ssyncset.done $0x0  }
0xa4: {  	s25 =	simm.s32 $0x1B8E;
	s24 =	sld [smem:$0x3FFE];
	[sflag:s23] =	ssyncadd.s32 $0xFFFFFFFF  }
0xa5: {  	s26 =	simm.s32 $execute0_lowered;
	[smem:$0x3FD2] =	sst s25  }
0xa6: {  	s5 =	sshll.u32 s26, $0x1;
	_ =	strace $0x80000049;
	[dreg:$0x1] =	wrdreg $0xFFFFFFFF  }
0xa7: {  	s28 =	simm.s32 $_size_execute0_lowered;
	s3 =	sadd.s32 s3, s5;
	[dreg:$0x0] =	wrdreg $0x0  }
0xa8: {  	s5 =	sshll.u32 s28, $0x1;
	[dreg:$0x2] =	wrdreg s3  }
0xa9: {  	[dreg:$0x3] =	wrdreg s5  }
0xaa: {  	[dreg:$0x4] =	wrdreg $0xC0  }
0xab: {  	_ =	task [dreg:s7], $0x5FFFF  }
0xac: {  	[dreg:$0x1] =	wrdreg $0xFFFFFFFF  }
0xad: {  	[dreg:$0x0] =	wrdreg $0x60  }
0xae: {  	[dreg:$0x2] =	wrdreg s24  }
0xaf: {  	[dreg:$0x3] =	wrdreg s2  }
0xb0: {  	[dreg:$0x4] =	wrdreg $0x9  }
0xb1: {  	_ =	task.clear_ibuf [dreg:s7], $0x5FFFF;
	_ =	strace $0x90000049  }
0xb2: {  	s29 =	simm.s32 $0x9;
	_ =	strace $0x8000004B  }
0xb3: {  	_ =	swait.ge [sflag:s29], $0x1  }
0xb4: {  	[sflag:s29] =	ssyncadd.s32 $0xFFFFFFFF  }
0xb5: {  	_ =	strace $0x9000004B  }
0xb6: {  	_ =	sfence  }
0xb7: {  	s30 =	sld [smem:$0x0];
	_ =	sdelay $0x2  }
0xb8: {  	s31 =	sshll.u32 s1, $0xD;
	s1 =	sshrl.u32 s1, $0x2  }
0xb9: {  	s3 =	sand.u32 $0x4000, s31;
	s1 =	sadd.s32 s1, s30  }
0xba: {  	s0 =	sor.u32 s3, s0;
	s1 =	sshll.u32 s1, $0x11  }
0xbb: {  	s0 =	sor.u32 s1, s0  }
0xbc: {  	s0 =	sadd.s32 $0x8F2B, s0  }
0xbd: {  	[sflag:s0] =	ssyncadd.remote.s32 $0x1  }
0xbe: {  	_ =	sfence.sel $0xFFFF  }
0xbf: {  	[dreg:$0x0] =	wrdreg $0xFFFFFFFF;
	(pc) =	sbr.abs _section_cstart, $3  }
0xc0: {  	[dreg:$0x1] =	wrdreg $0xFFFFFFFF  }
0xc1: {  	_ =	task.clear_ibuf [dreg:s7], $0x2FFFF;
	_ =	strace $0x9FFFFFFF  }
0xc2: {  	(tm) =	ssettm $0x7FFFFFFF  }
0xc3: {  	_ =	shalt  }
tec
execute0_lowered:
.L_overlay_start_1:
0x0: {  	(tag) =	ssettag $0x1  }
0x1: {  	s1 =	srdreg.scid  }
0x2: {  	s0 =	stileid.u32;
	s6 =	rddreg [dreg:$0x0]  }
0x3: {  	s4 =	rddreg [dreg:$0x1];
	s18 =	simm.s32 $0x880;
	s19 =	simm.s32 $0x1080  }
0x4: {  	s20 =	simm.s32 $0x1880;
	s22 =	simm.s32 $0x2080;
	s23 =	simm.s32 $0x2880  }
0x5: {  	s7 =	simm.s32 $0x3080;
	s24 =	simm.s32 $0x3880;
	s8 =	simm.s32 $0x4080  }
0x6: {  	s25 =	simm.s32 $0x4880;
	s26 =	simm.s32 $0x5080;
	s1 =	sand.u32 $0x1, s1  }
0x7: {  	s9 =	simm.s32 $0x80;
	s2 =	sshll.u32 s0, $0x7;
	s3 =	sshll.u32 s1, $0x6  }
0x8: {  	s11 =	simm.s32 $0x6080;
	s3 =	sor.u32 s3, s2;
	s2 =	simm.s32 $0x0  }
0x9: {  	s12 =	simm.s32 $0x6880;
	s13 =	simm.s32 $0x7080;
	[smem:$0x7FF] =	sst s2  }
0xa: {  	s14 =	simm.s32 $0x7880;
	_ =	strace $0x8000004A;
	[dreg:$0x5] =	wrdreg s18  }
0xb: {  	s15 =	simm.s32 $0x8080;
	s16 =	simm.s32 $0x8880;
	[dreg:$0x6] =	wrdreg s19  }
0xc: {  	s17 =	simm.s32 $0x9080;
	s28 =	simm.s32 $0xE080;
	[dreg:$0x7] =	wrdreg s20  }
0xd: {  	s29 =	simm.s32 $0xE880;
	s30 =	simm.s32 $0xF080;
	[dreg:$0x8] =	wrdreg s22  }
0xe: {  	s31 =	simm.s32 $0xF880;
	s1 =	ssub.s32 $0x2, s1;
	[dreg:$0x9] =	wrdreg s23  }
0xf: {  	s21 =	sshrl.u32 s1, $0x1;
	s5 =	sshrl.u32 s3, $0x3;
	[dreg:$0xa] =	wrdreg s7  }
0x10: {  	s3 =	sshll.u32 s3, $0x7;
	s1 =	ssub.s32 s1, s21;
	[dreg:$0xb] =	wrdreg s24  }
0x11: {  	s21 =	simm.s32 $0xB080;
	s5 =	sadd.s32 s5, s6;
	[dreg:$0xc] =	wrdreg s8  }
0x12: {  	s3 =	sadd.s32 s4, s3;
	s4 =	sadd.s32 $0xC0F00, s6;
	[dreg:$0xd] =	wrdreg s25  }
0x13: {  	s7 =	smax.u32 s1, $0x1;
	s8 =	simm.s32 $0x2;
	[dreg:$0xe] =	wrdreg s26  }
0x14: {  	s18 =	simm.s32 $0x9880;
	s19 =	simm.s32 $0xA080;
	s20 =	simm.s32 $0xA880  }
0x15: {  	s22 =	simm.s32 $0xB880;
	s23 =	simm.s32 $0xC080;
	s24 =	simm.s32 $0xC880  }
0x16: {  	v2 =	vlaneseq.u32;
	s25 =	simm.s32 $0xD080;
	s26 =	simm.s32 $0xD880;
	s1 =	simm.s32 $0x1  }
0x17: {  	vm0 =	vmmov $0xffff;
	v1 =	vshrl.u32 v2, $0x3;
	s5 =	sadd.s32 $0xC00, s5;
	[dreg:$0x4] =	wrdreg s3;
	s3 =	sadd.s32 $0xC0E00, s6  }
0x18: {  	v0 =	vand.u32 $0x7, v2;
	v2 =	vor.u32 $0x8, v2;
	v1 =	vmul.u32 $0x8, v1;
	[dreg:$0x3] =	wrdreg s5;
	s5 =	sadd.s32 $0xC1000, s6;
	s6 =	sadd.s32 $0xC1100, s6  }
.LBB2_1:
0x19: {  	s0 =	rddreg [dreg:$0x3]  }
0x1a: {  	[tilespmem:s2], [sflag:$0x2] =	stream.linear.gather [hbm4b:s0+s2], $0x40, $0x38;
	[tilespmem:$0x10080] =	vst v63  }
0x1b: {  	_ =	swait.ge [sflag:s8], $0x40  }
0x1c: {  	[sflag:s8] =	ssyncset.done $0x0  }
0x1d: {  	[sflag:s8] =	ssyncadd.s32 $0xFFFFFFC0  }
0x1e: {  	v3 =	vld [tilespmem:$0x0];
	_ =	sdelay $0x4  }
0x1f: {  	v4 =	vshll.u32 v3, $0x3  }
0x20: {  	v3 =	vand.u32 $0x7, v3;
	v4 =	vand.u32 $0xFFFFFFC0, v4  }
0x21: {  	v3 =	vor.u32 v3, v4  }
0x22: {  	v4 =	vperm.xlane v3, v0;
	_ =	sdelay $0x1  }
0x23: {  	v4 =	vadd.s32 v1, v4;
	_ =	sdelay $0x4  }
0x24: {  	[tilespmem:s9], [sflag:$0x1] =	stream.indirect_vreg.gather [hbm4b:s3+s2], $0x80, v4, vm0, $0xb8;
	[tilespmem:$0x10080] =	vst v63  }
0x25: {  	s0 =	rddreg [dreg:$0x5];
	v3 =	vperm.xlane v3, v2  }
0x26: {  	[tilespmem:s0], [sflag:$0x1] =	stream.indirect_vreg.gather [hbm4b:s4+s2], $0x80, v4, vm0, $0xb8;
	[tilespmem:$0x10080] =	vst v63  }
0x27: {  	s10 =	rddreg [dreg:$0x6];
	v3 =	vadd.s32 v1, v3  }
0x28: {  	[tilespmem:s10], [sflag:$0x1] =	stream.indirect_vreg.gather [hbm4b:s5+s2], $0x80, v4, vm0, $0xb8;
	[tilespmem:$0x10080] =	vst v63  }
0x29: {  	s0 =	rddreg [dreg:$0x7]  }
0x2a: {  	[tilespmem:s0], [sflag:$0x1] =	stream.indirect_vreg.gather [hbm4b:s6+s2], $0x80, v4, vm0, $0xb8;
	[tilespmem:$0x10080] =	vst v63  }
0x2b: {  	s10 =	rddreg [dreg:$0x8]  }
0x2c: {  	[tilespmem:s10], [sflag:$0x1] =	stream.indirect_vreg.gather [hbm4b:s3+s2], $0x80, v3, vm0, $0xb8;
	[tilespmem:$0x10080] =	vst v63  }
0x2d: {  	s0 =	rddreg [dreg:$0x9]  }
0x2e: {  	[tilespmem:s0], [sflag:$0x1] =	stream.indirect_vreg.gather [hbm4b:s4+s2], $0x80, v3, vm0, $0xb8;
	[tilespmem:$0x10080] =	vst v63  }
0x2f: {  	s10 =	rddreg [dreg:$0xa]  }
0x30: {  	[tilespmem:s10], [sflag:$0x1] =	stream.indirect_vreg.gather [hbm4b:s5+s2], $0x80, v3, vm0, $0xb8;
	[tilespmem:$0x10080] =	vst v63  }
0x31: {  	s0 =	rddreg [dreg:$0xb]  }
0x32: {  	[tilespmem:s0], [sflag:$0x1] =	stream.indirect_vreg.gather [hbm4b:s6+s2], $0x80, v3, vm0, $0xb8;
	[tilespmem:$0x10080] =	vst v63  }
0x33: {  	v3 =	vld [tilespmem:$0x10];
	_ =	sdelay $0x4  }
0x34: {  	v61 =	vshll.u32 v3, $0x3  }
0x35: {  	v3 =	vand.u32 $0x7, v3;
	v4 =	vand.u32 $0xFFFFFFC0, v61  }
0x36: {  	v3 =	vor.u32 v3, v4  }
0x37: {  	v4 =	vperm.xlane v3, v0;
	_ =	sdelay $0x1  }
0x38: {  	v4 =	vadd.s32 v1, v4;
	_ =	sdelay $0x3  }
0x39: {  	s0 =	rddreg [dreg:$0xc]  }
0x3a: {  	[tilespmem:s0], [sflag:$0x1] =	stream.indirect_vreg.gather [hbm4b:s3+s2], $0x80, v4, vm0, $0xb8;
	[tilespmem:$0x10080] =	vst v63  }
0x3b: {  	s10 =	rddreg [dreg:$0xd];
	v3 =	vperm.xlane v3, v2  }
0x3c: {  	[tilespmem:s10], [sflag:$0x1] =	stream.indirect_vreg.gather [hbm4b:s4+s2], $0x80, v4, vm0, $0xb8;
	[tilespmem:$0x10080] =	vst v63  }
0x3d: {  	v3 =	vadd.s32 v1, v3;
	s0 =	rddreg [dreg:$0xe]  }
0x3e: {  	[tilespmem:s0], [sflag:$0x1] =	stream.indirect_vreg.gather [hbm4b:s5+s2], $0x80, v4, vm0, $0xb8;
	[tilespmem:$0x10080] =	vst v63  }
0x3f: {  	s10 =	simm.s32 $0x5880  }
0x40: {  	[tilespmem:s10], [sflag:$0x1] =	stream.indirect_vreg.gather [hbm4b:s6+s2], $0x80, v4, vm0, $0xb8;
	[tilespmem:$0x10080] =	vst v63  }
0x41: {  	_ = 	snop  }
0x42: {  	[tilespmem:s11], [sflag:$0x1] =	stream.indirect_vreg.gather [hbm4b:s3+s2], $0x80, v3, vm0, $0xb8;
	[tilespmem:$0x10080] =	vst v63  }
0x43: {  	_ = 	snop  }
0x44: {  	[tilespmem:s12], [sflag:$0x1] =	stream.indirect_vreg.gather [hbm4b:s4+s2], $0x80, v3, vm0, $0xb8;
	[tilespmem:$0x10080] =	vst v63  }
0x45: {  	_ = 	snop  }
0x46: {  	[tilespmem:s13], [sflag:$0x1] =	stream.indirect_vreg.gather [hbm4b:s5+s2], $0x80, v3, vm0, $0xb8;
	[tilespmem:$0x10080] =	vst v63  }
0x47: {  	_ = 	snop  }
0x48: {  	[tilespmem:s14], [sflag:$0x1] =	stream.indirect_vreg.gather [hbm4b:s6+s2], $0x80, v3, vm0, $0xb8;
	[tilespmem:$0x10080] =	vst v63  }
0x49: {  	v3 =	vld [tilespmem:$0x20];
	_ =	sdelay $0x4  }
0x4a: {  	v62 =	vshll.u32 v3, $0x3  }
0x4b: {  	v3 =	vand.u32 $0x7, v3;
	v4 =	vand.u32 $0xFFFFFFC0, v62  }
0x4c: {  	v3 =	vor.u32 v3, v4  }
0x4d: {  	v4 =	vperm.xlane v3, v0;
	_ =	sdelay $0x1  }
0x4e: {  	v4 =	vadd.s32 v1, v4;
	_ =	sdelay $0x4  }
0x4f: {  	[tilespmem:s15], [sflag:$0x1] =	stream.indirect_vreg.gather [hbm4b:s3+s2], $0x80, v4, vm0, $0xb8;
	[tilespmem:$0x10080] =	vst v63  }
0x50: {  	v3 =	vperm.xlane v3, v2  }
0x51: {  	[tilespmem:s16], [sflag:$0x1] =	stream.indirect_vreg.gather [hbm4b:s4+s2], $0x80, v4, vm0, $0xb8;
	[tilespmem:$0x10080] =	vst v63  }
0x52: {  	v3 =	vadd.s32 v1, v3  }
0x53: {  	[tilespmem:s17], [sflag:$0x1] =	stream.indirect_vreg.gather [hbm4b:s5+s2], $0x80, v4, vm0, $0xb8;
	[tilespmem:$0x10080] =	vst v63  }
0x54: {  	_ = 	snop  }
0x55: {  	[tilespmem:s18], [sflag:$0x1] =	stream.indirect_vreg.gather [hbm4b:s6+s2], $0x80, v4, vm0, $0xb8;
	[tilespmem:$0x10080] =	vst v63  }
0x56: {  	_ = 	snop  }
0x57: {  	[tilespmem:s19], [sflag:$0x1] =	stream.indirect_vreg.gather [hbm4b:s3+s2], $0x80, v3, vm0, $0xb8;
	[tilespmem:$0x10080] =	vst v63  }
0x58: {  	_ = 	snop  }
0x59: {  	[tilespmem:s20], [sflag:$0x1] =	stream.indirect_vreg.gather [hbm4b:s4+s2], $0x80, v3, vm0, $0xb8;
	[tilespmem:$0x10080] =	vst v63  }
0x5a: {  	_ = 	snop  }
0x5b: {  	[tilespmem:s21], [sflag:$0x1] =	stream.indirect_vreg.gather [hbm4b:s5+s2], $0x80, v3, vm0, $0xb8;
	[tilespmem:$0x10080] =	vst v63  }
0x5c: {  	_ = 	snop  }
0x5d: {  	[tilespmem:s22], [sflag:$0x1] =	stream.indirect_vreg.gather [hbm4b:s6+s2], $0x80, v3, vm0, $0xb8;
	[tilespmem:$0x10080] =	vst v63  }
0x5e: {  	v3 =	vld [tilespmem:$0x30];
	_ =	sdelay $0x4  }
0x5f: {  	v63 =	vshll.u32 v3, $0x3  }
0x60: {  	v3 =	vand.u32 $0x7, v3;
	v4 =	vand.u32 $0xFFFFFFC0, v63  }
0x61: {  	v3 =	vor.u32 v3, v4  }
0x62: {  	v4 =	vperm.xlane v3, v0;
	_ =	sdelay $0x1  }
0x63: {  	v4 =	vadd.s32 v1, v4;
	_ =	sdelay $0x4  }
0x64: {  	[tilespmem:s23], [sflag:$0x1] =	stream.indirect_vreg.gather [hbm4b:s3+s2], $0x80, v4, vm0, $0xb8;
	[tilespmem:$0x10080] =	vst v63  }
0x65: {  	v3 =	vperm.xlane v3, v2  }
0x66: {  	[tilespmem:s24], [sflag:$0x1] =	stream.indirect_vreg.gather [hbm4b:s4+s2], $0x80, v4, vm0, $0xb8;
	[tilespmem:$0x10080] =	vst v63  }
0x67: {  	v3 =	vadd.s32 v1, v3  }
0x68: {  	[tilespmem:s25], [sflag:$0x1] =	stream.indirect_vreg.gather [hbm4b:s5+s2], $0x80, v4, vm0, $0xb8;
	[tilespmem:$0x10080] =	vst v63  }
0x69: {  	_ = 	snop  }
0x6a: {  	[tilespmem:s26], [sflag:$0x1] =	stream.indirect_vreg.gather [hbm4b:s6+s2], $0x80, v4, vm0, $0xb8;
	[tilespmem:$0x10080] =	vst v63  }
0x6b: {  	_ = 	snop  }
0x6c: {  	[tilespmem:s28], [sflag:$0x1] =	stream.indirect_vreg.gather [hbm4b:s3+s2], $0x80, v3, vm0, $0xb8;
	[tilespmem:$0x10080] =	vst v63  }
0x6d: {  	_ = 	snop  }
0x6e: {  	[tilespmem:s29], [sflag:$0x1] =	stream.indirect_vreg.gather [hbm4b:s4+s2], $0x80, v3, vm0, $0xb8;
	[tilespmem:$0x10080] =	vst v63  }
0x6f: {  	_ = 	snop  }
0x70: {  	[tilespmem:s30], [sflag:$0x1] =	stream.indirect_vreg.gather [hbm4b:s5+s2], $0x80, v3, vm0, $0xb8;
	[tilespmem:$0x10080] =	vst v63  }
0x71: {  	_ = 	snop  }
0x72: {  	[tilespmem:s31], [sflag:$0x1] =	stream.indirect_vreg.gather [hbm4b:s6+s2], $0x80, v3, vm0, $0xb8;
	[tilespmem:$0x10080] =	vst v63  }
0x73: {  	_ =	swait.ge [sflag:s1], $0x10000  }
0x74: {  	p0 =	sne.s32 s7, $0x1;
	[sflag:s1] =	ssyncset.done $0x0  }
.Ltmp0:
0x75: {  	s10 =	rddreg [dreg:$0x4];
	[sflag:s1] =	ssyncadd.s32 $0xFFFF0000;
	(pc) =	sbr.rel @p0 .LBB2_1-.Ltmp0, $4  }
0x76: {  	[hbm4b:s10+s2] =	stream.linear.scatter [tilespmem:s9], [sflag:$0x2], $0x10000, $0x38;
	[tilespmem:$0x10080] =	vst v63  }
0x77: {  	_ =	swait.ge [sflag:s8], $0x10000  }
0x78: {  	[sflag:s8] =	ssyncset.done $0x0  }
0x79: {  	s7 =	sadd.s32 $0xFFFFFFFF, s7;
	[sflag:s8] =	ssyncadd.s32 $0xFFFF0000  }
0x7a: {  	_ =	sfence.sel $0x180000  }
0x7b: {  	[bflag:$0x0] =	sbarrier.arrive $0xFFFF  }
0x7c: {  	_ =	strace $0x9000004A  }
0x7d: {  	s0 =	stileid.u32;
	[bflag:$0x2] =	sbarrier.arrive $0xFFFF  }
0x7e: {  	p0 =	sne.s32 s0, $0x0;
	s0 =	rddreg [dreg:$0x2]  }
0x7f: {  	s0 =	sadd.s32 @!p0 $0x100000, s0  }
0x80: {  	[sflag:s0] =	ssyncadd.tile.s32 @!p0 $0x1;
	_ =	shalt  }
.Lfunc_end2:
_tile_overlayer_lowered:
.L_overlay_start_2:
0x81: {  	(tag) =	ssettag $0x2  }
0x82: {  	s0 =	rddreg [dreg:$0x0];
	s2 =	stileid.u32  }
0x83: {  	s1 =	rddreg [dreg:$0x1];
	p0 =	sne.s32 s2, $0x0  }
0x84: {  	s3 =	rddreg [dreg:$0x2];
	[bflag:$0x3] =	sbarrier.arrive $0xFFFF;
	s2 =	simm.s32 @!p0 $0x1C02  }
0x85: {  	[timem:s3], [sflag:s2] =	dma.local @!p0 [hbm:s0], s1  }
0x86: {  	s0 =	simm.s32 @!p0 $0x2  }
0x87: {  	_ =	swait.ge @!p0 [sflag:s0], s1  }
0x88: {  	s1 =	ssub.s32 @!p0 $0x0, s1;
	[sflag:s0] =	ssyncset.done @!p0 $0x0  }
0x89: {  	[sflag:s0] =	ssyncadd.s32 @!p0 s1  }
0x8a: {  	[bflag:$0x3] =	sbarrier.arrive $0xFFFF  }
0x8b: {  	_ =	shalt  }

// kernel: kernel.7.cloned.1.call-start
scs
__scs_entry_jumppad:
0x0: {  	(pc) =	sbr.rel $0x88, $3  }
0x1: {  	(tag) =	ssettag $0x0;
	lr =	simm.s32 $0x1  }
0x2: {  	[smem:$0x3F98] =	sst lr;
	_ =	strace $0xD0000000  }
0x3: {  	_ = 	snop  }
0x4: {  	_ = 	snop  }
0x5: {  	_ = 	snop  }
0x6: {  	_ = 	snop  }
0x7: {  	_ = 	snop  }
__scs_overlays_trampoline_lowered:
0x8: {  	[smem:$0x3FA7] =	sst s0  }
0x9: {  	[smem:$0x3FA8] =	sst s1  }
0xa: {  	[smem:$0x3FA9] =	sst s2  }
0xb: {  	[smem:$0x3FAA] =	sst s3  }
0xc: {  	[smem:$0x3FAB] =	sst s4  }
0xd: {  	[smem:$0x3FAC] =	sst s5  }
0xe: {  	[smem:$0x3FAD] =	sst s6  }
0xf: {  	[smem:$0x3FAE] =	sst s7  }
0x10: {  	[smem:$0x3FAF] =	sst s8  }
0x11: {  	[smem:$0x3FB0] =	sst s9;
	s0 =	simm.s32 @!p0 $0x0  }
0x12: {  	s1 =	sld [smem:$0x3F96];
	s0 =	simm.s32 @p0 $0x1  }
0x13: {  	[smem:$0x3FB1] =	sst s0;
	s0 =	simm.s32 @!p1 $0x0  }
0x14: {  	s2 =	sld [smem:$0x3F95];
	s0 =	simm.s32 @p1 $0x1  }
0x15: {  	[smem:$0x3FB2] =	sst s0;
	s0 =	simm.s32 @!p2 $0x0  }
0x16: {  	s3 =	sld [smem:$0x3FDB];
	s0 =	simm.s32 @p2 $0x1  }
0x17: {  	s4 =	simm.s32 $0x1BF5;
	[smem:$0x3FB4] =	sst s0  }
0x18: {  	s0 =	sld [smem:$0x3F97];
	_ =	swait.ge [sflag:s4], $0x0  }
0x19: {  	s7 =	sld [smem:$0x3F98]  }
0x1a: {  	s8 =	sadd.s32 $0xFFFFE003, lr  }
0x1b: {  	s9 =	sadd.s32 $0xFFFFFEF7, lr;
	s5 =	simm.s32 $0xFFFFFFFF;
	p2 =	slt.u32 s8, $0xFFFFF086  }
0x1c: {  	p1 =	slt.u32 s9, $0xF7A;
	s5 =	simm.s32 @!p2 $0x0  }
0x1d: {  	s5 =	simm.s32 @p1 $0x1;
	p0 =	seq.s32 s7, s2  }
0x1e: {  	s7 =	smul.u32 @!p0 $0xF7A, s2;
	p2 =	seq.s32 @!p0 s5, $0x0  }
0x1f: {  	s9 =	smul.u32 $0xF7A, s1;
	s8 =	simm.s32 @!p0 $0x1BF5;
	p2 =	por !p2, p0  }
0x20: {  	[sflag:s8] =	ssyncset.s32 @!p0 $0xFFFFF086;
	s6 =	sadd.s32 @!p0 s3, s7;
	s7 =	simm.s32 @!p0 $0x108  }
0x21: {  	s3 =	sadd.s32 s3, s9;
	s6 =	sadd.s32 @!p0 $0x88, s6;
	s7 =	simm.s32 @p2 $0x1082  }
0x22: {  	[simem:s7], [sflag:s8] =	dma.local @!p0 [hbm:s6], $0xF7A  }
0x23: {  	s9 =	sor.u32 $0xD0000000, s2;
	s6 =	simm.s32 $0x108;
	_ =	swait.ge @!p0 [sflag:s8], $0x0  }
0x24: {  	s3 =	sadd.s32 $0x88, s3;
	s6 =	simm.s32 @!p1 $0x1082;
	[sflag:s4] =	ssyncset.s32 $0xFFFFF086  }
0x25: {  	[simem:s6], [sflag:s4] =	dma.local [hbm:s3], $0xF7A  }
0x26: {  	[smem:$0x3F98] =	sst s1;
	(tag) =	ssettag s2;
	_ =	strace s9  }
0x27: {  	s1 =	sld [smem:$0x3FA8]  }
0x28: {  	s2 =	sld [smem:$0x3FA9]  }
0x29: {  	s4 =	sld [smem:$0x3FAB]  }
0x2a: {  	p0 =	seq.s32 s5, $0x0;
	s5 =	sld [smem:$0x3FAC]  }
0x2b: {  	s6 =	sld [smem:$0x3FAD]  }
0x2c: {  	s7 =	sld [smem:$0x3FAE]  }
0x2d: {  	s3 =	simm.s32 $0x108;
	s8 =	sld [smem:$0x3FAF]  }
0x2e: {  	s3 =	simm.s32 @!p0 $0x1082;
	s9 =	sld [smem:$0x3FB0]  }
0x2f: {  	lr =	sadd.s32 s0, s3;
	s0 =	sld [smem:$0x3FA7]  }
0x30: {  	s3 =	sld [smem:$0x3FAA]  }
0x31: {  	[smem:$0x3FB3] =	sst s10  }
0x32: {  	s10 =	sld [smem:$0x3FB1];
	_ =	sdelay $0x3  }
0x33: {  	p0 =	seq.s32 s10, $0x1;
	s10 =	sld [smem:$0x3FB3];
	_ =	sdelay $0x3  }
0x34: {  	[smem:$0x3FB3] =	sst s10  }
0x35: {  	s10 =	sld [smem:$0x3FB2];
	_ =	sdelay $0x3  }
0x36: {  	p1 =	seq.s32 s10, $0x1;
	s10 =	sld [smem:$0x3FB3];
	_ =	sdelay $0x3  }
0x37: {  	[smem:$0x3FB3] =	sst s10  }
0x38: {  	s10 =	sld [smem:$0x3FB4]  }
0x39: {  	_ = 	snop;
	(pc) =	sbr.ind lr, $3  }
0x3a: {  	_ = 	snop  }
0x3b: {  	_ = 	snop  }
0x3c: {  	p2 =	seq.s32 s10, $0x1;
	s10 =	sld [smem:$0x3FB3]  }
0x3d: {  	_ =	shalt  }
0x3e: {  	_ =	shalt  }
0x3f: {  	_ =	shalt  }
0x40: {  	_ =	shalt  }
0x41: {  	_ =	shalt  }
0x42: {  	_ =	shalt  }
0x43: {  	_ =	shalt  }
0x44: {  	_ =	shalt  }
0x45: {  	_ =	shalt  }
0x46: {  	_ =	shalt  }
0x47: {  	_ =	shalt  }
0x48: {  	_ =	shalt  }
0x49: {  	_ =	shalt  }
0x4a: {  	_ =	shalt  }
0x4b: {  	_ =	shalt  }
0x4c: {  	_ =	shalt  }
0x4d: {  	_ =	shalt  }
0x4e: {  	_ =	shalt  }
0x4f: {  	_ =	shalt  }
0x50: {  	_ =	shalt  }
0x51: {  	_ =	shalt  }
0x52: {  	_ =	shalt  }
0x53: {  	_ =	shalt  }
0x54: {  	_ =	shalt  }
0x55: {  	_ =	shalt  }
0x56: {  	_ =	shalt  }
0x57: {  	_ =	shalt  }
0x58: {  	_ =	shalt  }
0x59: {  	_ =	shalt  }
0x5a: {  	_ =	shalt  }
0x5b: {  	_ =	shalt  }
0x5c: {  	_ =	shalt  }
0x5d: {  	_ =	shalt  }
0x5e: {  	_ =	shalt  }
0x5f: {  	_ =	shalt  }
0x60: {  	_ =	shalt  }
0x61: {  	_ =	shalt  }
0x62: {  	_ =	shalt  }
0x63: {  	_ =	shalt  }
0x64: {  	_ =	shalt  }
0x65: {  	_ =	shalt  }
0x66: {  	_ =	shalt  }
0x67: {  	_ =	shalt  }
0x68: {  	_ =	shalt  }
0x69: {  	_ =	shalt  }
0x6a: {  	_ =	shalt  }
0x6b: {  	_ =	shalt  }
0x6c: {  	_ =	shalt  }
0x6d: {  	_ =	shalt  }
0x6e: {  	_ =	shalt  }
0x6f: {  	_ =	shalt  }
0x70: {  	_ =	shalt  }
0x71: {  	_ =	shalt  }
0x72: {  	_ =	shalt  }
0x73: {  	_ =	shalt  }
0x74: {  	_ =	shalt  }
0x75: {  	_ =	shalt  }
0x76: {  	_ =	shalt  }
0x77: {  	_ =	shalt  }
0x78: {  	_ =	shalt  }
0x79: {  	_ =	shalt  }
0x7a: {  	_ =	shalt  }
0x7b: {  	_ =	shalt  }
0x7c: {  	_ =	shalt  }
0x7d: {  	_ =	shalt  }
0x7e: {  	_ =	shalt  }
0x7f: {  	_ =	shalt  }
0x80: {  	_ =	shalt  }
0x81: {  	_ =	shalt  }
0x82: {  	_ =	shalt  }
0x83: {  	_ =	shalt  }
0x84: {  	_ =	shalt  }
0x85: {  	_ =	shalt  }
0x86: {  	_ =	shalt  }
0x87: {  	_ =	shalt  }
.Lfunc_end0:
.L_simem_size_0:
called_computation_lowered:
.L_overlay_start_0:
0x88: {  	s2 =	sld [smem:$0x3FD9]  }
0x89: {  	s3 =	sld [smem:$0x3FFE];
	_ =	sdelay $0x1  }
0x8a: {  	s1 =	srdreg.scid  }
0x8b: {  	s0 =	sand.u32 $0x1, s1  }
0x8c: {  	s17 =	sshll.u32 s0, $0xA;
	s2 =	sadd.s32 s3, s2  }
0x8d: {  	s2 =	sadd.s32 s2, s17  }
0x8e: {  	[smem:$0x3FBF] =	sst s2  }
0x8f: {  	_ = 	snop  }
0x90: {  	s2 =	sld [smem:$0x3FC9];
	(tm) =	ssettm $0x1  }
0x91: {  	s18 =	sld [smem:$0x3FFB];
	_ =	sdelay $0x3  }
0x92: {  	_ =	strace s18  }
0x93: {  	s3 =	sld [smem:$0x3FFC];
	_ =	sdelay $0x3  }
0x94: {  	_ =	strace s3  }
0x95: {  	s3 =	sld [smem:$0x3FFD];
	_ =	sdelay $0x3  }
0x96: {  	_ =	strace s3  }
0x97: {  	_ =	strace $0x8FFFFFFF  }
0x98: {  	s19 =	sld [smem:$0x3FDB];
	_ =	sdelay $0x1  }
0x99: {  	s4 =	simm.s32 $_scs_section_size  }
0x9a: {  	s5 =	simm.s32 $_size__tile_overlayer_lowered;
	s6 =	simm.s32 $_tile_overlayer_lowered  }
0x9b: {  	s22 =	simm.s32 $0x1BFF;
	s21 =	sshll.u32 s6, $0x1;
	s3 =	sadd.s32 s4, s19  }
0x9c: {  	s7 =	simm.s32 $0x0;
	s20 =	sshll.u32 s5, $0x1;
	s5 =	sadd.s32 s21, s3  }
0x9d: {  	[timem:s7], [sflag:s22] =	dma.local [hbm:s5], s20  }
0x9e: {  	_ =	swait.ge [sflag:s22], s20  }
0x9f: {  	s4 =	ssub.s32 $0x0, s20;
	[sflag:s22] =	ssyncset.done $0x0  }
0xa0: {  	[sflag:s22] =	ssyncadd.s32 s4;
	_ =	sdelay $0x1  }
0xa1: {  	s23 =	simm.s32 $0x1B8B  }
0xa2: {  	_ =	swait.ge [sflag:s23], $0x1  }
0xa3: {  	[sflag:s23] =	ssyncset.done $0x0  }
0xa4: {  	s25 =	simm.s32 $0x1B8E;
	s24 =	sld [smem:$0x3FFE];
	[sflag:s23] =	ssyncadd.s32 $0xFFFFFFFF  }
0xa5: {  	s26 =	simm.s32 $execute0_lowered;
	[smem:$0x3FD2] =	sst s25  }
0xa6: {  	s5 =	sshll.u32 s26, $0x1;
	_ =	strace $0x80000046;
	[dreg:$0x1] =	wrdreg $0xFFFFFFFF  }
0xa7: {  	s28 =	simm.s32 $_size_execute0_lowered;
	s3 =	sadd.s32 s3, s5;
	[dreg:$0x0] =	wrdreg $0x0  }
0xa8: {  	s5 =	sshll.u32 s28, $0x1;
	[dreg:$0x2] =	wrdreg s3  }
0xa9: {  	[dreg:$0x3] =	wrdreg s5  }
0xaa: {  	[dreg:$0x4] =	wrdreg $0xC0  }
0xab: {  	_ =	task [dreg:s7], $0x5FFFF  }
0xac: {  	[dreg:$0x1] =	wrdreg $0xFFFFFFFF  }
0xad: {  	[dreg:$0x0] =	wrdreg $0x60  }
0xae: {  	[dreg:$0x2] =	wrdreg s24  }
0xaf: {  	[dreg:$0x3] =	wrdreg s2  }
0xb0: {  	[dreg:$0x4] =	wrdreg $0x9  }
0xb1: {  	_ =	task.clear_ibuf [dreg:s7], $0x5FFFF;
	_ =	strace $0x90000046  }
0xb2: {  	s29 =	simm.s32 $0x9;
	_ =	strace $0x80000048  }
0xb3: {  	_ =	swait.ge [sflag:s29], $0x1  }
0xb4: {  	[sflag:s29] =	ssyncadd.s32 $0xFFFFFFFF  }
0xb5: {  	_ =	strace $0x90000048  }
0xb6: {  	_ =	sfence  }
0xb7: {  	s30 =	sld [smem:$0x0];
	_ =	sdelay $0x2  }
0xb8: {  	s31 =	sshll.u32 s1, $0xD;
	s1 =	sshrl.u32 s1, $0x2  }
0xb9: {  	s3 =	sand.u32 $0x4000, s31;
	s1 =	sadd.s32 s1, s30  }
0xba: {  	s0 =	sor.u32 s3, s0;
	s1 =	sshll.u32 s1, $0x11  }
0xbb: {  	s0 =	sor.u32 s1, s0  }
0xbc: {  	s0 =	sadd.s32 $0x8F2B, s0  }
0xbd: {  	[sflag:s0] =	ssyncadd.remote.s32 $0x1  }
0xbe: {  	_ =	sfence.sel $0xFFFF  }
0xbf: {  	[dreg:$0x0] =	wrdreg $0xFFFFFFFF;
	(pc) =	sbr.abs _section_cstart, $3  }
0xc0: {  	[dreg:$0x1] =	wrdreg $0xFFFFFFFF  }
0xc1: {  	_ =	task.clear_ibuf [dreg:s7], $0x2FFFF;
	_ =	strace $0x9FFFFFFF  }
0xc2: {  	(tm) =	ssettm $0x7FFFFFFF  }
0xc3: {  	_ =	shalt  }
tec
execute0_lowered:
.L_overlay_start_1:
0x0: {  	(tag) =	ssettag $0x1  }
0x1: {  	s1 =	srdreg.scid  }
0x2: {  	s0 =	stileid.u32;
	s6 =	rddreg [dreg:$0x0]  }
0x3: {  	s4 =	rddreg [dreg:$0x1];
	s18 =	simm.s32 $0x880;
	s19 =	simm.s32 $0x1080  }
0x4: {  	s20 =	simm.s32 $0x1880;
	s22 =	simm.s32 $0x2080;
	s23 =	simm.s32 $0x2880  }
0x5: {  	s7 =	simm.s32 $0x3080;
	s24 =	simm.s32 $0x3880;
	s8 =	simm.s32 $0x4080  }
0x6: {  	s25 =	simm.s32 $0x4880;
	s26 =	simm.s32 $0x5080;
	s1 =	sand.u32 $0x1, s1  }
0x7: {  	s9 =	simm.s32 $0x80;
	s2 =	sshll.u32 s0, $0x7;
	s3 =	sshll.u32 s1, $0x6  }
0x8: {  	s11 =	simm.s32 $0x6080;
	s3 =	sor.u32 s3, s2;
	s2 =	simm.s32 $0x0  }
0x9: {  	s12 =	simm.s32 $0x6880;
	s13 =	simm.s32 $0x7080;
	[smem:$0x7FF] =	sst s2  }
0xa: {  	s14 =	simm.s32 $0x7880;
	_ =	strace $0x80000047;
	[dreg:$0x5] =	wrdreg s18  }
0xb: {  	s15 =	simm.s32 $0x8080;
	s16 =	simm.s32 $0x8880;
	[dreg:$0x6] =	wrdreg s19  }
0xc: {  	s17 =	simm.s32 $0x9080;
	s28 =	simm.s32 $0xE080;
	[dreg:$0x7] =	wrdreg s20  }
0xd: {  	s29 =	simm.s32 $0xE880;
	s30 =	simm.s32 $0xF080;
	[dreg:$0x8] =	wrdreg s22  }
0xe: {  	s31 =	simm.s32 $0xF880;
	s1 =	ssub.s32 $0x2, s1;
	[dreg:$0x9] =	wrdreg s23  }
0xf: {  	s21 =	sshrl.u32 s1, $0x1;
	s5 =	sshrl.u32 s3, $0x3;
	[dreg:$0xa] =	wrdreg s7  }
0x10: {  	s3 =	sshll.u32 s3, $0x7;
	s1 =	ssub.s32 s1, s21;
	[dreg:$0xb] =	wrdreg s24  }
0x11: {  	s21 =	simm.s32 $0xB080;
	s5 =	sadd.s32 s5, s6;
	[dreg:$0xc] =	wrdreg s8  }
0x12: {  	s3 =	sadd.s32 s4, s3;
	s4 =	sadd.s32 $0xF00, s6;
	[dreg:$0xd] =	wrdreg s25  }
0x13: {  	s7 =	smax.u32 s1, $0x1;
	s8 =	simm.s32 $0x2;
	[dreg:$0xe] =	wrdreg s26  }
0x14: {  	s18 =	simm.s32 $0x9880;
	s19 =	simm.s32 $0xA080;
	s20 =	simm.s32 $0xA880  }
0x15: {  	s22 =	simm.s32 $0xB880;
	s23 =	simm.s32 $0xC080;
	s24 =	simm.s32 $0xC880  }
0x16: {  	v2 =	vlaneseq.u32;
	s25 =	simm.s32 $0xD080;
	s26 =	simm.s32 $0xD880;
	s1 =	simm.s32 $0x1  }
0x17: {  	vm0 =	vmmov $0xffff;
	v1 =	vshrl.u32 v2, $0x3;
	s5 =	sadd.s32 $0xC00, s5;
	[dreg:$0x4] =	wrdreg s3;
	s3 =	sadd.s32 $0xE00, s6  }
0x18: {  	v0 =	vand.u32 $0x7, v2;
	v2 =	vor.u32 $0x8, v2;
	v1 =	vmul.u32 $0x8, v1;
	[dreg:$0x3] =	wrdreg s5;
	s5 =	sadd.s32 $0x1000, s6;
	s6 =	sadd.s32 $0x1100, s6  }
.LBB2_1:
0x19: {  	s0 =	rddreg [dreg:$0x3]  }
0x1a: {  	[tilespmem:s2], [sflag:$0x2] =	stream.linear.gather [hbm4b:s0+s2], $0x40, $0x38;
	[tilespmem:$0x10080] =	vst v63  }
0x1b: {  	_ =	swait.ge [sflag:s8], $0x40  }
0x1c: {  	[sflag:s8] =	ssyncset.done $0x0  }
0x1d: {  	s10 =	rddreg [dreg:$0x4];
	[sflag:s8] =	ssyncadd.s32 $0xFFFFFFC0  }
0x1e: {  	[tilespmem:s9], [sflag:$0x2] =	stream.linear.gather [hbm4b:s10+s2], $0x10000, $0x38;
	[tilespmem:$0x10080] =	vst v63  }
0x1f: {  	_ =	swait.ge [sflag:s8], $0x10000  }
0x20: {  	[sflag:s8] =	ssyncset.done $0x0  }
0x21: {  	[sflag:s8] =	ssyncadd.s32 $0xFFFF0000  }
0x22: {  	v3 =	vld [tilespmem:$0x0];
	_ =	sdelay $0x4  }
0x23: {  	v4 =	vshll.u32 v3, $0x3  }
0x24: {  	v3 =	vand.u32 $0x7, v3;
	v4 =	vand.u32 $0xFFFFFFC0, v4  }
0x25: {  	v3 =	vor.u32 v3, v4  }
0x26: {  	v4 =	vperm.xlane v3, v0;
	_ =	sdelay $0x1  }
0x27: {  	v4 =	vadd.s32 v1, v4;
	_ =	sdelay $0x4  }
0x28: {  	[hbm4b:s3+s2] =	stream.indirect_vreg.scatter [tilespmem:s9], [sflag:$0x1], $0x80, v4, vm0, $0xb8;
	[tilespmem:$0x10080] =	vst v63  }
0x29: {  	s0 =	rddreg [dreg:$0x5];
	v3 =	vperm.xlane v3, v2  }
0x2a: {  	[hbm4b:s4+s2] =	stream.indirect_vreg.scatter [tilespmem:s0], [sflag:$0x1], $0x80, v4, vm0, $0xb8;
	[tilespmem:$0x10080] =	vst v63  }
0x2b: {  	s10 =	rddreg [dreg:$0x6];
	v3 =	vadd.s32 v1, v3  }
0x2c: {  	[hbm4b:s5+s2] =	stream.indirect_vreg.scatter [tilespmem:s10], [sflag:$0x1], $0x80, v4, vm0, $0xb8;
	[tilespmem:$0x10080] =	vst v63  }
0x2d: {  	s0 =	rddreg [dreg:$0x7]  }
0x2e: {  	[hbm4b:s6+s2] =	stream.indirect_vreg.scatter [tilespmem:s0], [sflag:$0x1], $0x80, v4, vm0, $0xb8;
	[tilespmem:$0x10080] =	vst v63  }
0x2f: {  	s10 =	rddreg [dreg:$0x8]  }
0x30: {  	[hbm4b:s3+s2] =	stream.indirect_vreg.scatter [tilespmem:s10], [sflag:$0x1], $0x80, v3, vm0, $0xb8;
	[tilespmem:$0x10080] =	vst v63  }
0x31: {  	s0 =	rddreg [dreg:$0x9]  }
0x32: {  	[hbm4b:s4+s2] =	stream.indirect_vreg.scatter [tilespmem:s0], [sflag:$0x1], $0x80, v3, vm0, $0xb8;
	[tilespmem:$0x10080] =	vst v63  }
0x33: {  	s10 =	rddreg [dreg:$0xa]  }
0x34: {  	[hbm4b:s5+s2] =	stream.indirect_vreg.scatter [tilespmem:s10], [sflag:$0x1], $0x80, v3, vm0, $0xb8;
	[tilespmem:$0x10080] =	vst v63  }
0x35: {  	s0 =	rddreg [dreg:$0xb]  }
0x36: {  	[hbm4b:s6+s2] =	stream.indirect_vreg.scatter [tilespmem:s0], [sflag:$0x1], $0x80, v3, vm0, $0xb8;
	[tilespmem:$0x10080] =	vst v63  }
0x37: {  	v3 =	vld [tilespmem:$0x10];
	_ =	sdelay $0x4  }
0x38: {  	v61 =	vshll.u32 v3, $0x3  }
0x39: {  	v3 =	vand.u32 $0x7, v3;
	v4 =	vand.u32 $0xFFFFFFC0, v61  }
0x3a: {  	v3 =	vor.u32 v3, v4  }
0x3b: {  	v4 =	vperm.xlane v3, v0;
	_ =	sdelay $0x1  }
0x3c: {  	v4 =	vadd.s32 v1, v4;
	_ =	sdelay $0x3  }
0x3d: {  	s0 =	rddreg [dreg:$0xc]  }
0x3e: {  	[hbm4b:s3+s2] =	stream.indirect_vreg.scatter [tilespmem:s0], [sflag:$0x1], $0x80, v4, vm0, $0xb8;
	[tilespmem:$0x10080] =	vst v63  }
0x3f: {  	s10 =	rddreg [dreg:$0xd];
	v3 =	vperm.xlane v3, v2  }
0x40: {  	[hbm4b:s4+s2] =	stream.indirect_vreg.scatter [tilespmem:s10], [sflag:$0x1], $0x80, v4, vm0, $0xb8;
	[tilespmem:$0x10080] =	vst v63  }
0x41: {  	v3 =	vadd.s32 v1, v3;
	s0 =	rddreg [dreg:$0xe]  }
0x42: {  	[hbm4b:s5+s2] =	stream.indirect_vreg.scatter [tilespmem:s0], [sflag:$0x1], $0x80, v4, vm0, $0xb8;
	[tilespmem:$0x10080] =	vst v63  }
0x43: {  	s10 =	simm.s32 $0x5880  }
0x44: {  	[hbm4b:s6+s2] =	stream.indirect_vreg.scatter [tilespmem:s10], [sflag:$0x1], $0x80, v4, vm0, $0xb8;
	[tilespmem:$0x10080] =	vst v63  }
0x45: {  	_ = 	snop  }
0x46: {  	[hbm4b:s3+s2] =	stream.indirect_vreg.scatter [tilespmem:s11], [sflag:$0x1], $0x80, v3, vm0, $0xb8;
	[tilespmem:$0x10080] =	vst v63  }
0x47: {  	_ = 	snop  }
0x48: {  	[hbm4b:s4+s2] =	stream.indirect_vreg.scatter [tilespmem:s12], [sflag:$0x1], $0x80, v3, vm0, $0xb8;
	[tilespmem:$0x10080] =	vst v63  }
0x49: {  	_ = 	snop  }
0x4a: {  	[hbm4b:s5+s2] =	stream.indirect_vreg.scatter [tilespmem:s13], [sflag:$0x1], $0x80, v3, vm0, $0xb8;
	[tilespmem:$0x10080] =	vst v63  }
0x4b: {  	_ = 	snop  }
0x4c: {  	[hbm4b:s6+s2] =	stream.indirect_vreg.scatter [tilespmem:s14], [sflag:$0x1], $0x80, v3, vm0, $0xb8;
	[tilespmem:$0x10080] =	vst v63  }
0x4d: {  	v3 =	vld [tilespmem:$0x20];
	_ =	sdelay $0x4  }
0x4e: {  	v62 =	vshll.u32 v3, $0x3  }
0x4f: {  	v3 =	vand.u32 $0x7, v3;
	v4 =	vand.u32 $0xFFFFFFC0, v62  }
0x50: {  	v3 =	vor.u32 v3, v4  }
0x51: {  	v4 =	vperm.xlane v3, v0;
	_ =	sdelay $0x1  }
0x52: {  	v4 =	vadd.s32 v1, v4;
	_ =	sdelay $0x4  }
0x53: {  	[hbm4b:s3+s2] =	stream.indirect_vreg.scatter [tilespmem:s15], [sflag:$0x1], $0x80, v4, vm0, $0xb8;
	[tilespmem:$0x10080] =	vst v63  }
0x54: {  	v3 =	vperm.xlane v3, v2  }
0x55: {  	[hbm4b:s4+s2] =	stream.indirect_vreg.scatter [tilespmem:s16], [sflag:$0x1], $0x80, v4, vm0, $0xb8;
	[tilespmem:$0x10080] =	vst v63  }
0x56: {  	v3 =	vadd.s32 v1, v3  }
0x57: {  	[hbm4b:s5+s2] =	stream.indirect_vreg.scatter [tilespmem:s17], [sflag:$0x1], $0x80, v4, vm0, $0xb8;
	[tilespmem:$0x10080] =	vst v63  }
0x58: {  	_ = 	snop  }
0x59: {  	[hbm4b:s6+s2] =	stream.indirect_vreg.scatter [tilespmem:s18], [sflag:$0x1], $0x80, v4, vm0, $0xb8;
	[tilespmem:$0x10080] =	vst v63  }
0x5a: {  	_ = 	snop  }
0x5b: {  	[hbm4b:s3+s2] =	stream.indirect_vreg.scatter [tilespmem:s19], [sflag:$0x1], $0x80, v3, vm0, $0xb8;
	[tilespmem:$0x10080] =	vst v63  }
0x5c: {  	_ = 	snop  }
0x5d: {  	[hbm4b:s4+s2] =	stream.indirect_vreg.scatter [tilespmem:s20], [sflag:$0x1], $0x80, v3, vm0, $0xb8;
	[tilespmem:$0x10080] =	vst v63  }
0x5e: {  	_ = 	snop  }
0x5f: {  	[hbm4b:s5+s2] =	stream.indirect_vreg.scatter [tilespmem:s21], [sflag:$0x1], $0x80, v3, vm0, $0xb8;
	[tilespmem:$0x10080] =	vst v63  }
0x60: {  	_ = 	snop  }
0x61: {  	[hbm4b:s6+s2] =	stream.indirect_vreg.scatter [tilespmem:s22], [sflag:$0x1], $0x80, v3, vm0, $0xb8;
	[tilespmem:$0x10080] =	vst v63  }
0x62: {  	v3 =	vld [tilespmem:$0x30];
	_ =	sdelay $0x4  }
0x63: {  	v63 =	vshll.u32 v3, $0x3  }
0x64: {  	v3 =	vand.u32 $0x7, v3;
	v4 =	vand.u32 $0xFFFFFFC0, v63  }
0x65: {  	v3 =	vor.u32 v3, v4  }
0x66: {  	v4 =	vperm.xlane v3, v0;
	_ =	sdelay $0x1  }
0x67: {  	v4 =	vadd.s32 v1, v4;
	_ =	sdelay $0x4  }
0x68: {  	[hbm4b:s3+s2] =	stream.indirect_vreg.scatter [tilespmem:s23], [sflag:$0x1], $0x80, v4, vm0, $0xb8;
	[tilespmem:$0x10080] =	vst v63  }
0x69: {  	v3 =	vperm.xlane v3, v2  }
0x6a: {  	[hbm4b:s4+s2] =	stream.indirect_vreg.scatter [tilespmem:s24], [sflag:$0x1], $0x80, v4, vm0, $0xb8;
	[tilespmem:$0x10080] =	vst v63  }
0x6b: {  	v3 =	vadd.s32 v1, v3  }
0x6c: {  	[hbm4b:s5+s2] =	stream.indirect_vreg.scatter [tilespmem:s25], [sflag:$0x1], $0x80, v4, vm0, $0xb8;
	[tilespmem:$0x10080] =	vst v63  }
0x6d: {  	_ = 	snop  }
0x6e: {  	[hbm4b:s6+s2] =	stream.indirect_vreg.scatter [tilespmem:s26], [sflag:$0x1], $0x80, v4, vm0, $0xb8;
	[tilespmem:$0x10080] =	vst v63  }
0x6f: {  	_ = 	snop  }
0x70: {  	[hbm4b:s3+s2] =	stream.indirect_vreg.scatter [tilespmem:s28], [sflag:$0x1], $0x80, v3, vm0, $0xb8;
	[tilespmem:$0x10080] =	vst v63  }
0x71: {  	_ = 	snop  }
0x72: {  	[hbm4b:s4+s2] =	stream.indirect_vreg.scatter [tilespmem:s29], [sflag:$0x1], $0x80, v3, vm0, $0xb8;
	[tilespmem:$0x10080] =	vst v63  }
0x73: {  	p0 =	sne.s32 s7, $0x1  }
0x74: {  	[hbm4b:s5+s2] =	stream.indirect_vreg.scatter [tilespmem:s30], [sflag:$0x1], $0x80, v3, vm0, $0xb8;
	[tilespmem:$0x10080] =	vst v63  }
.Ltmp0:
0x75: {  	_ = 	snop;
	(pc) =	sbr.rel @p0 .LBB2_1-.Ltmp0, $4  }
0x76: {  	[hbm4b:s6+s2] =	stream.indirect_vreg.scatter [tilespmem:s31], [sflag:$0x1], $0x80, v3, vm0, $0xb8;
	[tilespmem:$0x10080] =	vst v63  }
0x77: {  	_ =	swait.ge [sflag:s1], $0x10000  }
0x78: {  	[sflag:s1] =	ssyncset.done $0x0  }
0x79: {  	s7 =	sadd.s32 $0xFFFFFFFF, s7;
	[sflag:s1] =	ssyncadd.s32 $0xFFFF0000  }
0x7a: {  	_ =	sfence.sel $0x180000  }
0x7b: {  	[bflag:$0x0] =	sbarrier.arrive $0xFFFF  }
0x7c: {  	_ =	strace $0x90000047  }
0x7d: {  	s0 =	stileid.u32;
	[bflag:$0x2] =	sbarrier.arrive $0xFFFF  }
0x7e: {  	p0 =	sne.s32 s0, $0x0;
	s0 =	rddreg [dreg:$0x2]  }
0x7f: {  	s0 =	sadd.s32 @!p0 $0x100000, s0  }
0x80: {  	[sflag:s0] =	ssyncadd.tile.s32 @!p0 $0x1;
	_ =	shalt  }
.Lfunc_end2:
_tile_overlayer_lowered:
.L_overlay_start_2:
0x81: {  	(tag) =	ssettag $0x2  }
0x82: {  	s0 =	rddreg [dreg:$0x0];
	s2 =	stileid.u32  }
0x83: {  	s1 =	rddreg [dreg:$0x1];
	p0 =	sne.s32 s2, $0x0  }
0x84: {  	s3 =	rddreg [dreg:$0x2];
	[bflag:$0x3] =	sbarrier.arrive $0xFFFF;
	s2 =	simm.s32 @!p0 $0x1C02  }
0x85: {  	[timem:s3], [sflag:s2] =	dma.local @!p0 [hbm:s0], s1  }
0x86: {  	s0 =	simm.s32 @!p0 $0x2  }
0x87: {  	_ =	swait.ge @!p0 [sflag:s0], s1  }
0x88: {  	s1 =	ssub.s32 @!p0 $0x0, s1;
	[sflag:s0] =	ssyncset.done @!p0 $0x0  }
0x89: {  	[sflag:s0] =	ssyncadd.s32 @!p0 s1  }
0x8a: {  	[bflag:$0x3] =	sbarrier.arrive $0xFFFF  }
0x8b: {  	_ =	shalt  }

</sc_bundles>
